<compile_context>
chip_gen: v7x
topology: tpu7x:2x2x1
jax: 0.10.2.dev20260603
libtpu: 0.0.44.dev20260713+nightly
codegen_flags: <defaults>
</compile_context>

<pallas_src>
import functools

import jax
import jax.numpy as jnp
from jax import lax
from jax.experimental import pallas as pl
from jax.experimental.pallas import tpu as pltpu
from jax.experimental.pallas import tpu_sc as plsc

from jax._src.pallas.mosaic import lowering as _mosaic_lowering
from jax._src.pallas.mosaic import core as _mosaic_core

_mosaic_lowering.lowering_rules[_mosaic_core.CoreType.SC_VECTOR_SUBCORE][lax.log_p] = (
    _mosaic_lowering.lowering_rules[_mosaic_core.CoreType.TC][lax.log_p])

B = 16384
C = 128

_info = plsc.get_sparse_core_info()
_NC, _NS = _info.num_cores, _info.num_subcores
NW = _NC * _NS
B_PER_W = B // NW
CHUNK = 128
N_CHUNK = B_PER_W // CHUNK


def _sc_fused(idx3, pred4, conf):
    mesh = plsc.VectorSubcoreMesh(core_axis_name="c", subcore_axis_name="s")

    @functools.partial(
        pl.kernel,
        mesh=mesh,
        compiler_params=pltpu.CompilerParams(needs_layout_passes=False),
        out_type=jax.ShapeDtypeStruct((NW, 16), jnp.float32),
        scratch_types=[
            pltpu.VMEM((N_CHUNK, CHUNK), jnp.int32),
            pltpu.VMEM((2, CHUNK, C), jnp.float32),
            pltpu.VMEM((2, CHUNK, C), jnp.float32),
            pltpu.VMEM((16,), jnp.float32),
            pltpu.SemaphoreType.DMA,
            pltpu.SemaphoreType.DMA,
            pltpu.SemaphoreType.DMA,
            pltpu.SemaphoreType.DMA,
        ],
    )
    def k(idx_hbm, pred_hbm, conf_hbm, out_hbm,
          idx_v, rows_v, pred_v, acc_v,
          gsem0, gsem1, psem0, psem1):
        wid = lax.axis_index("s") * _NC + lax.axis_index("c")
        pltpu.sync_copy(idx_hbm.at[wid], idx_v)
        gsems = (gsem0, gsem1)
        psems = (psem0, psem1)
        gcp = {0: pltpu.async_copy(conf_hbm.at[idx_v.at[0]], rows_v.at[0], gsem0)}
        pcp = {0: pltpu.async_copy(pred_hbm.at[wid, 0], pred_v.at[0], psem0)}
        accs = [jnp.zeros((16,), jnp.float32)] * (C // 16)
        for j in range(N_CHUNK):
            if j + 1 < N_CHUNK:
                nb = (j + 1) % 2
                gcp[j + 1] = pltpu.async_copy(
                    conf_hbm.at[idx_v.at[j + 1]], rows_v.at[nb], gsems[nb])
                pcp[j + 1] = pltpu.async_copy(
                    pred_hbm.at[wid, j + 1], pred_v.at[nb], psems[nb])
            gcp[j].wait()
            pcp[j].wait()
            buf = j % 2

            @plsc.parallel_loop(0, CHUNK, 2, carry=tuple(accs))
            def inner(r, accs, buf=buf):
                out = list(accs)
                for rr in range(2):
                    for c in range(C // 16):
                        t = rows_v[buf, r + rr, pl.ds(16 * c, 16)]
                        p = pred_v[buf, r + rr, pl.ds(16 * c, 16)]
                        out[c] = out[c] + t * jnp.log(p)
                return tuple(out)

            accs = inner
        acc = accs[0]
        for a in accs[1:]:
            acc = acc + a
        acc_v[...] = acc * (-1.0 / B)
        pltpu.sync_copy(acc_v, out_hbm.at[wid])

    return k(idx3, pred4, conf)


def kernel(classfy_out, index, confidence):
    idx3 = index.reshape(NW, N_CHUNK, CHUNK)
    pred4 = classfy_out.reshape(NW, N_CHUNK, CHUNK, C)
    partials = _sc_fused(idx3, pred4, confidence)
    return jnp.sum(partials)

# --- scband reference (transcript-rebuilt; emitter-appended) ---
"""Pipeline reference for scband-partial-loss-78048145703032 (READ-ONLY COPY).

The authoritative reference and input builder live on the scoring server;
editing this copy changes nothing except your own understanding.
"""

import jax, jax.numpy as jnp
import numpy as np

N_SAMPLES = 1000000
NUM_CLASS = 128
BATCH = 16384

def setup_inputs(seed: int = 0) -> dict:
    key = jax.random.key(seed)
    k1, k2, k3 = jax.random.split(key, 3)
    # confidence buffer: per-sample class-probability table (the module's self.confidence)
    conf = jax.random.uniform(k1, (N_SAMPLES, NUM_CLASS), dtype=jnp.float32) + 1e-3
    conf = conf / conf.sum(axis=1, keepdims=True)
    # classfy_out: model predictions, valid probabilities (softmax-like outputs)
    pred = jax.random.uniform(k2, (BATCH, NUM_CLASS), dtype=jnp.float32) + 1e-3
    pred = pred / pred.sum(axis=1, keepdims=True)
    idx = jax.random.randint(k3, (BATCH,), 0, N_SAMPLES, dtype=jnp.int32)
    return {"classfy_out": pred, "index": idx, "confidence": conf}

def reference(classfy_out, index, confidence):
    # args.loss_type == 'CE' branch of partial_loss.forward
    pred = classfy_out
    target = jnp.take(confidence, index, axis=0)  # self.confidence[index, :]
    average_loss = -(jnp.log(pred) * target).sum(axis=1).mean()
    return average_loss

if __name__ == "__main__":
    import jax
    _d = setup_inputs()
    print(jax.jit(kernel)(*tuple(_d.values())))

</pallas_src>

<mosaic_0001>
#map = affine_map<(d0, d1) -> (0, 0, 0)>
#map1 = affine_map<(d0, d1) -> (0, 0, 0, 0)>
#map2 = affine_map<(d0, d1) -> (0, 0)>
module attributes {stable_mosaic.version = 14 : i64} {
  func.func @k(%arg0: i32, %arg1: i32, %arg2: memref<32x4x128xi32, #tpu.memory_space<hbm>>, %arg3: memref<32x4x128x128xf32, #tpu.memory_space<hbm>>, %arg4: memref<1000000x128xf32, #tpu.memory_space<hbm>>, %arg5: memref<32x16xf32, #tpu.memory_space<hbm>>, %arg6: memref<4x128xi32, #tpu.memory_space<vmem>>, %arg7: memref<2x128x128xf32, #tpu.memory_space<vmem>>, %arg8: memref<2x128x128xf32, #tpu.memory_space<vmem>>, %arg9: memref<16xf32, #tpu.memory_space<vmem>>, %arg10: memref<!tpu.dma_semaphore, #tpu.memory_space<semaphore_mem>>, %arg11: memref<!tpu.dma_semaphore, #tpu.memory_space<semaphore_mem>>, %arg12: memref<!tpu.dma_semaphore, #tpu.memory_space<semaphore_mem>>, %arg13: memref<!tpu.dma_semaphore, #tpu.memory_space<semaphore_mem>>) attributes {dimension_semantics = [#tpu.dimension_semantics<core_parallel>, #tpu.dimension_semantics<subcore_parallel>], iteration_bounds = array<i64: 2, 16>, scalar_prefetch = 0 : i64, scratch_operands = 8 : i64, tpu.core_type = #tpu.core_type<sc_vector_subcore>, window_params = [{transform_indices = #map}, {transform_indices = #map1}, {transform_indices = #map2}, {transform_indices = #map2}]} {
    %mul3A = arith.constant 2 : i32
    %mul3A_0 = arith.muli %arg1, %mul3A : i32
    %add3A = arith.addi %mul3A_0, %arg0 : i32
    "tpu.region"() ({
      %run_scoped3A = tpu.sem_alloc : memref<!tpu.dma_semaphore, #tpu.memory_space<semaphore_mem>>
      %dma_start3A_266 = arith.constant 0 : i32
      %dma_start3A_267 = arith.constant 0 : i32
      %dma_start3A_268 = tpu.memref_slice %arg2[%add3A, %dma_start3A_266, %dma_start3A_267] : memref<32x4x128xi32, #tpu.memory_space<hbm>> -> memref<1x4x128xi32, #tpu.memory_space<hbm>>
      %dma_start3A_269 = tpu.memref_squeeze %dma_start3A_268 : memref<1x4x128xi32, #tpu.memory_space<hbm>> -> memref<4x128xi32, #tpu.memory_space<hbm>>
      %dma_start3A_270 = arith.constant 0 : i32
      %dma_start3A_271 = arith.constant 0 : i32
      %dma_start3A_272 = tpu.memref_slice %arg2[%add3A, %dma_start3A_270, %dma_start3A_271] : memref<32x4x128xi32, #tpu.memory_space<hbm>> -> memref<1x4x128xi32, #tpu.memory_space<hbm>>
      %dma_start3A_273 = tpu.memref_squeeze %dma_start3A_272 : memref<1x4x128xi32, #tpu.memory_space<hbm>> -> memref<4x128xi32, #tpu.memory_space<hbm>>
      tpu.enqueue_dma source(%dma_start3A_273 : memref<4x128xi32, #tpu.memory_space<hbm>>) target(%arg6 : memref<4x128xi32, #tpu.memory_space<vmem>>) target_semaphore(%run_scoped3A : memref<!tpu.dma_semaphore, #tpu.memory_space<semaphore_mem>>)
      %dma_wait3A_274 = arith.constant 0 : i32
      %dma_wait3A_275 = arith.constant 0 : i32
      %dma_wait3A_276 = tpu.memref_slice %arg2[%add3A, %dma_wait3A_274, %dma_wait3A_275] : memref<32x4x128xi32, #tpu.memory_space<hbm>> -> memref<1x4x128xi32, #tpu.memory_space<hbm>>
      %dma_wait3A_277 = tpu.memref_squeeze %dma_wait3A_276 : memref<1x4x128xi32, #tpu.memory_space<hbm>> -> memref<4x128xi32, #tpu.memory_space<hbm>>
      %dma_wait3A_278 = arith.constant 0 : i32
      %dma_wait3A_279 = arith.constant 0 : i32
      %dma_wait3A_280 = tpu.memref_slice %arg2[%add3A, %dma_wait3A_278, %dma_wait3A_279] : memref<32x4x128xi32, #tpu.memory_space<hbm>> -> memref<1x4x128xi32, #tpu.memory_space<hbm>>
      %dma_wait3A_281 = tpu.memref_squeeze %dma_wait3A_280 : memref<1x4x128xi32, #tpu.memory_space<hbm>> -> memref<4x128xi32, #tpu.memory_space<hbm>>
      tpu.wait_dma2 semaphore(%run_scoped3A : memref<!tpu.dma_semaphore, #tpu.memory_space<semaphore_mem>>) src(%dma_wait3A_281 : memref<4x128xi32, #tpu.memory_space<hbm>>) dst(%arg6 : memref<4x128xi32, #tpu.memory_space<vmem>>)
      tpu.yield
    }) : () -> ()
    %dma_start3A = arith.constant 0 : i32
    %dma_start3A_1 = arith.constant 0 : i32
    %dma_start3A_2 = arith.constant 0 : i32
    %dma_start3A_3 = arith.constant 0 : i32
    %dma_start3A_4 = tpu.memref_slice %arg7[%dma_start3A_1, %dma_start3A_2, %dma_start3A_3] : memref<2x128x128xf32, #tpu.memory_space<vmem>> -> memref<1x128x128xf32, #tpu.memory_space<vmem>>
    %dma_start3A_5 = tpu.memref_squeeze %dma_start3A_4 : memref<1x128x128xf32, #tpu.memory_space<vmem>> -> memref<128x128xf32, #tpu.memory_space<vmem>>
    %dma_start3A_6 = arith.constant 0 : i32
    %dma_start3A_7 = tpu.memref_slice %arg6[%dma_start3A, %dma_start3A_6] : memref<4x128xi32, #tpu.memory_space<vmem>> -> memref<1x128xi32, #tpu.memory_space<vmem>>
    %dma_start3A_8 = tpu.memref_squeeze %dma_start3A_7 : memref<1x128xi32, #tpu.memory_space<vmem>> -> memref<128xi32, #tpu.memory_space<vmem>>
    %dma_start3A_9 = arith.constant 0 : i32
    %dma_start3A_10 = arith.constant 0 : i32
    %dma_start3A_11 = tpu.memref_slice %arg4[%dma_start3A_9, %dma_start3A_10] : memref<1000000x128xf32, #tpu.memory_space<hbm>> -> memref<1000000x128xf32, #tpu.memory_space<hbm>>
    tpu.enqueue_indirect_dma source(%dma_start3A_11 : memref<1000000x128xf32, #tpu.memory_space<hbm>>) target(%dma_start3A_5 : memref<128x128xf32, #tpu.memory_space<vmem>>) offsets(%dma_start3A_8 : memref<128xi32, #tpu.memory_space<vmem>>) semaphore(%arg10 : memref<!tpu.dma_semaphore, #tpu.memory_space<semaphore_mem>>)
    %dma_start3A_12 = arith.constant 0 : i32
    %dma_start3A_13 = arith.constant 0 : i32
    %dma_start3A_14 = arith.constant 0 : i32
    %dma_start3A_15 = arith.constant 0 : i32
    %dma_start3A_16 = tpu.memref_slice %arg8[%dma_start3A_13, %dma_start3A_14, %dma_start3A_15] : memref<2x128x128xf32, #tpu.memory_space<vmem>> -> memref<1x128x128xf32, #tpu.memory_space<vmem>>
    %dma_start3A_17 = tpu.memref_squeeze %dma_start3A_16 : memref<1x128x128xf32, #tpu.memory_space<vmem>> -> memref<128x128xf32, #tpu.memory_space<vmem>>
    %dma_start3A_18 = arith.constant 0 : i32
    %dma_start3A_19 = arith.constant 0 : i32
    %dma_start3A_20 = tpu.memref_slice %arg3[%add3A, %dma_start3A_12, %dma_start3A_18, %dma_start3A_19] : memref<32x4x128x128xf32, #tpu.memory_space<hbm>> -> memref<1x1x128x128xf32, #tpu.memory_space<hbm>>
    %dma_start3A_21 = tpu.memref_squeeze %dma_start3A_20 : memref<1x1x128x128xf32, #tpu.memory_space<hbm>> -> memref<128x128xf32, #tpu.memory_space<hbm>>
    %dma_start3A_22 = arith.constant 0 : i32
    %dma_start3A_23 = arith.constant 0 : i32
    %dma_start3A_24 = tpu.memref_slice %arg8[%dma_start3A_13, %dma_start3A_22, %dma_start3A_23] : memref<2x128x128xf32, #tpu.memory_space<vmem>> -> memref<1x128x128xf32, #tpu.memory_space<vmem>>
    %dma_start3A_25 = tpu.memref_squeeze %dma_start3A_24 : memref<1x128x128xf32, #tpu.memory_space<vmem>> -> memref<128x128xf32, #tpu.memory_space<vmem>>
    %dma_start3A_26 = arith.constant 0 : i32
    %dma_start3A_27 = arith.constant 0 : i32
    %dma_start3A_28 = tpu.memref_slice %arg3[%add3A, %dma_start3A_12, %dma_start3A_26, %dma_start3A_27] : memref<32x4x128x128xf32, #tpu.memory_space<hbm>> -> memref<1x1x128x128xf32, #tpu.memory_space<hbm>>
    %dma_start3A_29 = tpu.memref_squeeze %dma_start3A_28 : memref<1x1x128x128xf32, #tpu.memory_space<hbm>> -> memref<128x128xf32, #tpu.memory_space<hbm>>
    tpu.enqueue_dma source(%dma_start3A_29 : memref<128x128xf32, #tpu.memory_space<hbm>>) target(%dma_start3A_25 : memref<128x128xf32, #tpu.memory_space<vmem>>) target_semaphore(%arg12 : memref<!tpu.dma_semaphore, #tpu.memory_space<semaphore_mem>>)
    %broadcast_in_dim3A = arith.constant 0.000000e+00 : f32
    %broadcast_in_dim3A_30 = vector.broadcast %broadcast_in_dim3A : f32 to vector<16xf32>
    %dma_start3A_31 = arith.constant 1 : i32
    %dma_start3A_32 = arith.constant 1 : i32
    %dma_start3A_33 = arith.constant 0 : i32
    %dma_start3A_34 = arith.constant 0 : i32
    %dma_start3A_35 = tpu.memref_slice %arg7[%dma_start3A_32, %dma_start3A_33, %dma_start3A_34] : memref<2x128x128xf32, #tpu.memory_space<vmem>> -> memref<1x128x128xf32, #tpu.memory_space<vmem>>
    %dma_start3A_36 = tpu.memref_squeeze %dma_start3A_35 : memref<1x128x128xf32, #tpu.memory_space<vmem>> -> memref<128x128xf32, #tpu.memory_space<vmem>>
    %dma_start3A_37 = arith.constant 0 : i32
    %dma_start3A_38 = tpu.memref_slice %arg6[%dma_start3A_31, %dma_start3A_37] : memref<4x128xi32, #tpu.memory_space<vmem>> -> memref<1x128xi32, #tpu.memory_space<vmem>>
    %dma_start3A_39 = tpu.memref_squeeze %dma_start3A_38 : memref<1x128xi32, #tpu.memory_space<vmem>> -> memref<128xi32, #tpu.memory_space<vmem>>
    %dma_start3A_40 = arith.constant 0 : i32
    %dma_start3A_41 = arith.constant 0 : i32
    %dma_start3A_42 = tpu.memref_slice %arg4[%dma_start3A_40, %dma_start3A_41] : memref<1000000x128xf32, #tpu.memory_space<hbm>> -> memref<1000000x128xf32, #tpu.memory_space<hbm>>
    tpu.enqueue_indirect_dma source(%dma_start3A_42 : memref<1000000x128xf32, #tpu.memory_space<hbm>>) target(%dma_start3A_36 : memref<128x128xf32, #tpu.memory_space<vmem>>) offsets(%dma_start3A_39 : memref<128xi32, #tpu.memory_space<vmem>>) semaphore(%arg11 : memref<!tpu.dma_semaphore, #tpu.memory_space<semaphore_mem>>)
    %dma_start3A_43 = arith.constant 1 : i32
    %dma_start3A_44 = arith.constant 1 : i32
    %dma_start3A_45 = arith.constant 0 : i32
    %dma_start3A_46 = arith.constant 0 : i32
    %dma_start3A_47 = tpu.memref_slice %arg8[%dma_start3A_44, %dma_start3A_45, %dma_start3A_46] : memref<2x128x128xf32, #tpu.memory_space<vmem>> -> memref<1x128x128xf32, #tpu.memory_space<vmem>>
    %dma_start3A_48 = tpu.memref_squeeze %dma_start3A_47 : memref<1x128x128xf32, #tpu.memory_space<vmem>> -> memref<128x128xf32, #tpu.memory_space<vmem>>
    %dma_start3A_49 = arith.constant 0 : i32
    %dma_start3A_50 = arith.constant 0 : i32
    %dma_start3A_51 = tpu.memref_slice %arg3[%add3A, %dma_start3A_43, %dma_start3A_49, %dma_start3A_50] : memref<32x4x128x128xf32, #tpu.memory_space<hbm>> -> memref<1x1x128x128xf32, #tpu.memory_space<hbm>>
    %dma_start3A_52 = tpu.memref_squeeze %dma_start3A_51 : memref<1x1x128x128xf32, #tpu.memory_space<hbm>> -> memref<128x128xf32, #tpu.memory_space<hbm>>
    %dma_start3A_53 = arith.constant 0 : i32
    %dma_start3A_54 = arith.constant 0 : i32
    %dma_start3A_55 = tpu.memref_slice %arg8[%dma_start3A_44, %dma_start3A_53, %dma_start3A_54] : memref<2x128x128xf32, #tpu.memory_space<vmem>> -> memref<1x128x128xf32, #tpu.memory_space<vmem>>
    %dma_start3A_56 = tpu.memref_squeeze %dma_start3A_55 : memref<1x128x128xf32, #tpu.memory_space<vmem>> -> memref<128x128xf32, #tpu.memory_space<vmem>>
    %dma_start3A_57 = arith.constant 0 : i32
    %dma_start3A_58 = arith.constant 0 : i32
    %dma_start3A_59 = tpu.memref_slice %arg3[%add3A, %dma_start3A_43, %dma_start3A_57, %dma_start3A_58] : memref<32x4x128x128xf32, #tpu.memory_space<hbm>> -> memref<1x1x128x128xf32, #tpu.memory_space<hbm>>
    %dma_start3A_60 = tpu.memref_squeeze %dma_start3A_59 : memref<1x1x128x128xf32, #tpu.memory_space<hbm>> -> memref<128x128xf32, #tpu.memory_space<hbm>>
    tpu.enqueue_dma source(%dma_start3A_60 : memref<128x128xf32, #tpu.memory_space<hbm>>) target(%dma_start3A_56 : memref<128x128xf32, #tpu.memory_space<vmem>>) target_semaphore(%arg13 : memref<!tpu.dma_semaphore, #tpu.memory_space<semaphore_mem>>)
    %dma_wait3A = arith.constant 0 : i32
    %dma_wait3A_61 = arith.constant 0 : i32
    %dma_wait3A_62 = arith.constant 0 : i32
    %dma_wait3A_63 = arith.constant 0 : i32
    %dma_wait3A_64 = tpu.memref_slice %arg7[%dma_wait3A_61, %dma_wait3A_62, %dma_wait3A_63] : memref<2x128x128xf32, #tpu.memory_space<vmem>> -> memref<1x128x128xf32, #tpu.memory_space<vmem>>
    %dma_wait3A_65 = tpu.memref_squeeze %dma_wait3A_64 : memref<1x128x128xf32, #tpu.memory_space<vmem>> -> memref<128x128xf32, #tpu.memory_space<vmem>>
    %dma_wait3A_66 = arith.constant 0 : i32
    %dma_wait3A_67 = tpu.memref_slice %arg6[%dma_wait3A, %dma_wait3A_66] : memref<4x128xi32, #tpu.memory_space<vmem>> -> memref<1x128xi32, #tpu.memory_space<vmem>>
    %dma_wait3A_68 = tpu.memref_squeeze %dma_wait3A_67 : memref<1x128xi32, #tpu.memory_space<vmem>> -> memref<128xi32, #tpu.memory_space<vmem>>
    %dma_wait3A_69 = arith.constant 0 : i32
    %dma_wait3A_70 = arith.constant 0 : i32
    %dma_wait3A_71 = tpu.memref_slice %arg4[%dma_wait3A_69, %dma_wait3A_70] : memref<1000000x128xf32, #tpu.memory_space<hbm>> -> memref<1000000x128xf32, #tpu.memory_space<hbm>>
    tpu.wait_indirect_dma semaphore(%arg10 : memref<!tpu.dma_semaphore, #tpu.memory_space<semaphore_mem>>) src(%dma_wait3A_71 : memref<1000000x128xf32, #tpu.memory_space<hbm>>) dst(%dma_wait3A_65 : memref<128x128xf32, #tpu.memory_space<vmem>>)
    %dma_wait3A_72 = arith.constant 0 : i32
    %dma_wait3A_73 = arith.constant 0 : i32
    %dma_wait3A_74 = arith.constant 0 : i32
    %dma_wait3A_75 = arith.constant 0 : i32
    %dma_wait3A_76 = tpu.memref_slice %arg8[%dma_wait3A_73, %dma_wait3A_74, %dma_wait3A_75] : memref<2x128x128xf32, #tpu.memory_space<vmem>> -> memref<1x128x128xf32, #tpu.memory_space<vmem>>
    %dma_wait3A_77 = tpu.memref_squeeze %dma_wait3A_76 : memref<1x128x128xf32, #tpu.memory_space<vmem>> -> memref<128x128xf32, #tpu.memory_space<vmem>>
    %dma_wait3A_78 = arith.constant 0 : i32
    %dma_wait3A_79 = arith.constant 0 : i32
    %dma_wait3A_80 = tpu.memref_slice %arg3[%add3A, %dma_wait3A_72, %dma_wait3A_78, %dma_wait3A_79] : memref<32x4x128x128xf32, #tpu.memory_space<hbm>> -> memref<1x1x128x128xf32, #tpu.memory_space<hbm>>
    %dma_wait3A_81 = tpu.memref_squeeze %dma_wait3A_80 : memref<1x1x128x128xf32, #tpu.memory_space<hbm>> -> memref<128x128xf32, #tpu.memory_space<hbm>>
    %dma_wait3A_82 = arith.constant 0 : i32
    %dma_wait3A_83 = arith.constant 0 : i32
    %dma_wait3A_84 = tpu.memref_slice %arg8[%dma_wait3A_73, %dma_wait3A_82, %dma_wait3A_83] : memref<2x128x128xf32, #tpu.memory_space<vmem>> -> memref<1x128x128xf32, #tpu.memory_space<vmem>>
    %dma_wait3A_85 = tpu.memref_squeeze %dma_wait3A_84 : memref<1x128x128xf32, #tpu.memory_space<vmem>> -> memref<128x128xf32, #tpu.memory_space<vmem>>
    %dma_wait3A_86 = arith.constant 0 : i32
    %dma_wait3A_87 = arith.constant 0 : i32
    %dma_wait3A_88 = tpu.memref_slice %arg3[%add3A, %dma_wait3A_72, %dma_wait3A_86, %dma_wait3A_87] : memref<32x4x128x128xf32, #tpu.memory_space<hbm>> -> memref<1x1x128x128xf32, #tpu.memory_space<hbm>>
    %dma_wait3A_89 = tpu.memref_squeeze %dma_wait3A_88 : memref<1x1x128x128xf32, #tpu.memory_space<hbm>> -> memref<128x128xf32, #tpu.memory_space<hbm>>
    tpu.wait_dma2 semaphore(%arg12 : memref<!tpu.dma_semaphore, #tpu.memory_space<semaphore_mem>>) src(%dma_wait3A_89 : memref<128x128xf32, #tpu.memory_space<hbm>>) dst(%dma_wait3A_85 : memref<128x128xf32, #tpu.memory_space<vmem>>)
    %parallel_loop3A = arith.constant 0 : i32
    %parallel_loop3A_90 = arith.constant 128 : i32
    %parallel_loop3A_91 = arith.constant 2 : i32
    %parallel_loop3A_92:8 = scf.for %parallel_loop3A_266 = %parallel_loop3A to %parallel_loop3A_90 step %parallel_loop3A_91 iter_args(%parallel_loop3A_267 = %broadcast_in_dim3A_30, %parallel_loop3A_268 = %broadcast_in_dim3A_30, %parallel_loop3A_269 = %broadcast_in_dim3A_30, %parallel_loop3A_270 = %broadcast_in_dim3A_30, %parallel_loop3A_271 = %broadcast_in_dim3A_30, %parallel_loop3A_272 = %broadcast_in_dim3A_30, %parallel_loop3A_273 = %broadcast_in_dim3A_30, %parallel_loop3A_274 = %broadcast_in_dim3A_30) -> (vector<16xf32>, vector<16xf32>, vector<16xf32>, vector<16xf32>, vector<16xf32>, vector<16xf32>, vector<16xf32>, vector<16xf32>)  : i32 {
      %parallel_loop3A_275 = arith.constant 0 : i32
      %parallel_loop3A_276 = arith.addi %parallel_loop3A_266, %parallel_loop3A_275 : i32
      %parallel_loop3A_277 = arith.constant 0 : i32
      %parallel_loop3A_278 = arith.index_cast %parallel_loop3A_277 : i32 to index
      %parallel_loop3A_279 = arith.index_cast %parallel_loop3A_276 : i32 to index
      %parallel_loop3A_280 = arith.constant 0 : index
      %parallel_loop3A_281 = tpu.vector_load %arg7[%parallel_loop3A_278, %parallel_loop3A_279, %parallel_loop3A_280] {strides = array<i32>} : memref<2x128x128xf32, #tpu.memory_space<vmem>>, vector<16xf32>,
      %parallel_loop3A_282 = arith.constant 0 : i32
      %parallel_loop3A_283 = arith.addi %parallel_loop3A_266, %parallel_loop3A_282 : i32
      %parallel_loop3A_284 = arith.constant 0 : i32
      %parallel_loop3A_285 = arith.index_cast %parallel_loop3A_284 : i32 to index
      %parallel_loop3A_286 = arith.index_cast %parallel_loop3A_283 : i32 to index
      %parallel_loop3A_287 = arith.constant 0 : index
      %parallel_loop3A_288 = tpu.vector_load %arg8[%parallel_loop3A_285, %parallel_loop3A_286, %parallel_loop3A_287] {strides = array<i32>} : memref<2x128x128xf32, #tpu.memory_space<vmem>>, vector<16xf32>,
      %parallel_loop3A_289 = math.log %parallel_loop3A_288 : vector<16xf32>
      %parallel_loop3A_290 = arith.mulf %parallel_loop3A_281, %parallel_loop3A_289 : vector<16xf32>
      %parallel_loop3A_291 = arith.addf %parallel_loop3A_267, %parallel_loop3A_290 : vector<16xf32>
      %parallel_loop3A_292 = arith.constant 0 : i32
      %parallel_loop3A_293 = arith.addi %parallel_loop3A_266, %parallel_loop3A_292 : i32
      %parallel_loop3A_294 = arith.constant 0 : i32
      %parallel_loop3A_295 = arith.index_cast %parallel_loop3A_294 : i32 to index
      %parallel_loop3A_296 = arith.index_cast %parallel_loop3A_293 : i32 to index
      %parallel_loop3A_297 = arith.constant 16 : index
      %parallel_loop3A_298 = tpu.vector_load %arg7[%parallel_loop3A_295, %parallel_loop3A_296, %parallel_loop3A_297] {strides = array<i32>} : memref<2x128x128xf32, #tpu.memory_space<vmem>>, vector<16xf32>,
      %parallel_loop3A_299 = arith.constant 0 : i32
      %parallel_loop3A_300 = arith.addi %parallel_loop3A_266, %parallel_loop3A_299 : i32
      %parallel_loop3A_301 = arith.constant 0 : i32
      %parallel_loop3A_302 = arith.index_cast %parallel_loop3A_301 : i32 to index
      %parallel_loop3A_303 = arith.index_cast %parallel_loop3A_300 : i32 to index
      %parallel_loop3A_304 = arith.constant 16 : index
      %parallel_loop3A_305 = tpu.vector_load %arg8[%parallel_loop3A_302, %parallel_loop3A_303, %parallel_loop3A_304] {strides = array<i32>} : memref<2x128x128xf32, #tpu.memory_space<vmem>>, vector<16xf32>,
      %parallel_loop3A_306 = math.log %parallel_loop3A_305 : vector<16xf32>
      %parallel_loop3A_307 = arith.mulf %parallel_loop3A_298, %parallel_loop3A_306 : vector<16xf32>
      %parallel_loop3A_308 = arith.addf %parallel_loop3A_268, %parallel_loop3A_307 : vector<16xf32>
      %parallel_loop3A_309 = arith.constant 0 : i32
      %parallel_loop3A_310 = arith.addi %parallel_loop3A_266, %parallel_loop3A_309 : i32
      %parallel_loop3A_311 = arith.constant 0 : i32
      %parallel_loop3A_312 = arith.index_cast %parallel_loop3A_311 : i32 to index
      %parallel_loop3A_313 = arith.index_cast %parallel_loop3A_310 : i32 to index
      %parallel_loop3A_314 = arith.constant 32 : index
      %parallel_loop3A_315 = tpu.vector_load %arg7[%parallel_loop3A_312, %parallel_loop3A_313, %parallel_loop3A_314] {strides = array<i32>} : memref<2x128x128xf32, #tpu.memory_space<vmem>>, vector<16xf32>,
      %parallel_loop3A_316 = arith.constant 0 : i32
      %parallel_loop3A_317 = arith.addi %parallel_loop3A_266, %parallel_loop3A_316 : i32
      %parallel_loop3A_318 = arith.constant 0 : i32
      %parallel_loop3A_319 = arith.index_cast %parallel_loop3A_318 : i32 to index
      %parallel_loop3A_320 = arith.index_cast %parallel_loop3A_317 : i32 to index
      %parallel_loop3A_321 = arith.constant 32 : index
      %parallel_loop3A_322 = tpu.vector_load %arg8[%parallel_loop3A_319, %parallel_loop3A_320, %parallel_loop3A_321] {strides = array<i32>} : memref<2x128x128xf32, #tpu.memory_space<vmem>>, vector<16xf32>,
      %parallel_loop3A_323 = math.log %parallel_loop3A_322 : vector<16xf32>
      %parallel_loop3A_324 = arith.mulf %parallel_loop3A_315, %parallel_loop3A_323 : vector<16xf32>
      %parallel_loop3A_325 = arith.addf %parallel_loop3A_269, %parallel_loop3A_324 : vector<16xf32>
      %parallel_loop3A_326 = arith.constant 0 : i32
      %parallel_loop3A_327 = arith.addi %parallel_loop3A_266, %parallel_loop3A_326 : i32
      %parallel_loop3A_328 = arith.constant 0 : i32
      %parallel_loop3A_329 = arith.index_cast %parallel_loop3A_328 : i32 to index
      %parallel_loop3A_330 = arith.index_cast %parallel_loop3A_327 : i32 to index
      %parallel_loop3A_331 = arith.constant 48 : index
      %parallel_loop3A_332 = tpu.vector_load %arg7[%parallel_loop3A_329, %parallel_loop3A_330, %parallel_loop3A_331] {strides = array<i32>} : memref<2x128x128xf32, #tpu.memory_space<vmem>>, vector<16xf32>,
      %parallel_loop3A_333 = arith.constant 0 : i32
      %parallel_loop3A_334 = arith.addi %parallel_loop3A_266, %parallel_loop3A_333 : i32
      %parallel_loop3A_335 = arith.constant 0 : i32
      %parallel_loop3A_336 = arith.index_cast %parallel_loop3A_335 : i32 to index
      %parallel_loop3A_337 = arith.index_cast %parallel_loop3A_334 : i32 to index
      %parallel_loop3A_338 = arith.constant 48 : index
      %parallel_loop3A_339 = tpu.vector_load %arg8[%parallel_loop3A_336, %parallel_loop3A_337, %parallel_loop3A_338] {strides = array<i32>} : memref<2x128x128xf32, #tpu.memory_space<vmem>>, vector<16xf32>,
      %parallel_loop3A_340 = math.log %parallel_loop3A_339 : vector<16xf32>
      %parallel_loop3A_341 = arith.mulf %parallel_loop3A_332, %parallel_loop3A_340 : vector<16xf32>
      %parallel_loop3A_342 = arith.addf %parallel_loop3A_270, %parallel_loop3A_341 : vector<16xf32>
      %parallel_loop3A_343 = arith.constant 0 : i32
      %parallel_loop3A_344 = arith.addi %parallel_loop3A_266, %parallel_loop3A_343 : i32
      %parallel_loop3A_345 = arith.constant 0 : i32
      %parallel_loop3A_346 = arith.index_cast %parallel_loop3A_345 : i32 to index
      %parallel_loop3A_347 = arith.index_cast %parallel_loop3A_344 : i32 to index
      %parallel_loop3A_348 = arith.constant 64 : index
      %parallel_loop3A_349 = tpu.vector_load %arg7[%parallel_loop3A_346, %parallel_loop3A_347, %parallel_loop3A_348] {strides = array<i32>} : memref<2x128x128xf32, #tpu.memory_space<vmem>>, vector<16xf32>,
      %parallel_loop3A_350 = arith.constant 0 : i32
      %parallel_loop3A_351 = arith.addi %parallel_loop3A_266, %parallel_loop3A_350 : i32
      %parallel_loop3A_352 = arith.constant 0 : i32
      %parallel_loop3A_353 = arith.index_cast %parallel_loop3A_352 : i32 to index
      %parallel_loop3A_354 = arith.index_cast %parallel_loop3A_351 : i32 to index
      %parallel_loop3A_355 = arith.constant 64 : index
      %parallel_loop3A_356 = tpu.vector_load %arg8[%parallel_loop3A_353, %parallel_loop3A_354, %parallel_loop3A_355] {strides = array<i32>} : memref<2x128x128xf32, #tpu.memory_space<vmem>>, vector<16xf32>,
      %parallel_loop3A_357 = math.log %parallel_loop3A_356 : vector<16xf32>
      %parallel_loop3A_358 = arith.mulf %parallel_loop3A_349, %parallel_loop3A_357 : vector<16xf32>
      %parallel_loop3A_359 = arith.addf %parallel_loop3A_271, %parallel_loop3A_358 : vector<16xf32>
      %parallel_loop3A_360 = arith.constant 0 : i32
      %parallel_loop3A_361 = arith.addi %parallel_loop3A_266, %parallel_loop3A_360 : i32
      %parallel_loop3A_362 = arith.constant 0 : i32
      %parallel_loop3A_363 = arith.index_cast %parallel_loop3A_362 : i32 to index
      %parallel_loop3A_364 = arith.index_cast %parallel_loop3A_361 : i32 to index
      %parallel_loop3A_365 = arith.constant 80 : index
      %parallel_loop3A_366 = tpu.vector_load %arg7[%parallel_loop3A_363, %parallel_loop3A_364, %parallel_loop3A_365] {strides = array<i32>} : memref<2x128x128xf32, #tpu.memory_space<vmem>>, vector<16xf32>,
      %parallel_loop3A_367 = arith.constant 0 : i32
      %parallel_loop3A_368 = arith.addi %parallel_loop3A_266, %parallel_loop3A_367 : i32
      %parallel_loop3A_369 = arith.constant 0 : i32
      %parallel_loop3A_370 = arith.index_cast %parallel_loop3A_369 : i32 to index
      %parallel_loop3A_371 = arith.index_cast %parallel_loop3A_368 : i32 to index
      %parallel_loop3A_372 = arith.constant 80 : index
      %parallel_loop3A_373 = tpu.vector_load %arg8[%parallel_loop3A_370, %parallel_loop3A_371, %parallel_loop3A_372] {strides = array<i32>} : memref<2x128x128xf32, #tpu.memory_space<vmem>>, vector<16xf32>,
      %parallel_loop3A_374 = math.log %parallel_loop3A_373 : vector<16xf32>
      %parallel_loop3A_375 = arith.mulf %parallel_loop3A_366, %parallel_loop3A_374 : vector<16xf32>
      %parallel_loop3A_376 = arith.addf %parallel_loop3A_272, %parallel_loop3A_375 : vector<16xf32>
      %parallel_loop3A_377 = arith.constant 0 : i32
      %parallel_loop3A_378 = arith.addi %parallel_loop3A_266, %parallel_loop3A_377 : i32
      %parallel_loop3A_379 = arith.constant 0 : i32
      %parallel_loop3A_380 = arith.index_cast %parallel_loop3A_379 : i32 to index
      %parallel_loop3A_381 = arith.index_cast %parallel_loop3A_378 : i32 to index
      %parallel_loop3A_382 = arith.constant 96 : index
      %parallel_loop3A_383 = tpu.vector_load %arg7[%parallel_loop3A_380, %parallel_loop3A_381, %parallel_loop3A_382] {strides = array<i32>} : memref<2x128x128xf32, #tpu.memory_space<vmem>>, vector<16xf32>,
      %parallel_loop3A_384 = arith.constant 0 : i32
      %parallel_loop3A_385 = arith.addi %parallel_loop3A_266, %parallel_loop3A_384 : i32
      %parallel_loop3A_386 = arith.constant 0 : i32
      %parallel_loop3A_387 = arith.index_cast %parallel_loop3A_386 : i32 to index
      %parallel_loop3A_388 = arith.index_cast %parallel_loop3A_385 : i32 to index
      %parallel_loop3A_389 = arith.constant 96 : index
      %parallel_loop3A_390 = tpu.vector_load %arg8[%parallel_loop3A_387, %parallel_loop3A_388, %parallel_loop3A_389] {strides = array<i32>} : memref<2x128x128xf32, #tpu.memory_space<vmem>>, vector<16xf32>,
      %parallel_loop3A_391 = math.log %parallel_loop3A_390 : vector<16xf32>
      %parallel_loop3A_392 = arith.mulf %parallel_loop3A_383, %parallel_loop3A_391 : vector<16xf32>
      %parallel_loop3A_393 = arith.addf %parallel_loop3A_273, %parallel_loop3A_392 : vector<16xf32>
      %parallel_loop3A_394 = arith.constant 0 : i32
      %parallel_loop3A_395 = arith.addi %parallel_loop3A_266, %parallel_loop3A_394 : i32
      %parallel_loop3A_396 = arith.constant 0 : i32
      %parallel_loop3A_397 = arith.index_cast %parallel_loop3A_396 : i32 to index
      %parallel_loop3A_398 = arith.index_cast %parallel_loop3A_395 : i32 to index
      %parallel_loop3A_399 = arith.constant 112 : index
      %parallel_loop3A_400 = tpu.vector_load %arg7[%parallel_loop3A_397, %parallel_loop3A_398, %parallel_loop3A_399] {strides = array<i32>} : memref<2x128x128xf32, #tpu.memory_space<vmem>>, vector<16xf32>,
      %parallel_loop3A_401 = arith.constant 0 : i32
      %parallel_loop3A_402 = arith.addi %parallel_loop3A_266, %parallel_loop3A_401 : i32
      %parallel_loop3A_403 = arith.constant 0 : i32
      %parallel_loop3A_404 = arith.index_cast %parallel_loop3A_403 : i32 to index
      %parallel_loop3A_405 = arith.index_cast %parallel_loop3A_402 : i32 to index
      %parallel_loop3A_406 = arith.constant 112 : index
      %parallel_loop3A_407 = tpu.vector_load %arg8[%parallel_loop3A_404, %parallel_loop3A_405, %parallel_loop3A_406] {strides = array<i32>} : memref<2x128x128xf32, #tpu.memory_space<vmem>>, vector<16xf32>,
      %parallel_loop3A_408 = math.log %parallel_loop3A_407 : vector<16xf32>
      %parallel_loop3A_409 = arith.mulf %parallel_loop3A_400, %parallel_loop3A_408 : vector<16xf32>
      %parallel_loop3A_410 = arith.addf %parallel_loop3A_274, %parallel_loop3A_409 : vector<16xf32>
      %parallel_loop3A_411 = arith.constant 1 : i32
      %parallel_loop3A_412 = arith.addi %parallel_loop3A_266, %parallel_loop3A_411 : i32
      %parallel_loop3A_413 = arith.constant 0 : i32
      %parallel_loop3A_414 = arith.index_cast %parallel_loop3A_413 : i32 to index
      %parallel_loop3A_415 = arith.index_cast %parallel_loop3A_412 : i32 to index
      %parallel_loop3A_416 = arith.constant 0 : index
      %parallel_loop3A_417 = tpu.vector_load %arg7[%parallel_loop3A_414, %parallel_loop3A_415, %parallel_loop3A_416] {strides = array<i32>} : memref<2x128x128xf32, #tpu.memory_space<vmem>>, vector<16xf32>,
      %parallel_loop3A_418 = arith.constant 1 : i32
      %parallel_loop3A_419 = arith.addi %parallel_loop3A_266, %parallel_loop3A_418 : i32
      %parallel_loop3A_420 = arith.constant 0 : i32
      %parallel_loop3A_421 = arith.index_cast %parallel_loop3A_420 : i32 to index
      %parallel_loop3A_422 = arith.index_cast %parallel_loop3A_419 : i32 to index
      %parallel_loop3A_423 = arith.constant 0 : index
      %parallel_loop3A_424 = tpu.vector_load %arg8[%parallel_loop3A_421, %parallel_loop3A_422, %parallel_loop3A_423] {strides = array<i32>} : memref<2x128x128xf32, #tpu.memory_space<vmem>>, vector<16xf32>,
      %parallel_loop3A_425 = math.log %parallel_loop3A_424 : vector<16xf32>
      %parallel_loop3A_426 = arith.mulf %parallel_loop3A_417, %parallel_loop3A_425 : vector<16xf32>
      %parallel_loop3A_427 = arith.addf %parallel_loop3A_291, %parallel_loop3A_426 : vector<16xf32>
      %parallel_loop3A_428 = arith.constant 1 : i32
      %parallel_loop3A_429 = arith.addi %parallel_loop3A_266, %parallel_loop3A_428 : i32
      %parallel_loop3A_430 = arith.constant 0 : i32
      %parallel_loop3A_431 = arith.index_cast %parallel_loop3A_430 : i32 to index
      %parallel_loop3A_432 = arith.index_cast %parallel_loop3A_429 : i32 to index
      %parallel_loop3A_433 = arith.constant 16 : index
      %parallel_loop3A_434 = tpu.vector_load %arg7[%parallel_loop3A_431, %parallel_loop3A_432, %parallel_loop3A_433] {strides = array<i32>} : memref<2x128x128xf32, #tpu.memory_space<vmem>>, vector<16xf32>,
      %parallel_loop3A_435 = arith.constant 1 : i32
      %parallel_loop3A_436 = arith.addi %parallel_loop3A_266, %parallel_loop3A_435 : i32
      %parallel_loop3A_437 = arith.constant 0 : i32
      %parallel_loop3A_438 = arith.index_cast %parallel_loop3A_437 : i32 to index
      %parallel_loop3A_439 = arith.index_cast %parallel_loop3A_436 : i32 to index
      %parallel_loop3A_440 = arith.constant 16 : index
      %parallel_loop3A_441 = tpu.vector_load %arg8[%parallel_loop3A_438, %parallel_loop3A_439, %parallel_loop3A_440] {strides = array<i32>} : memref<2x128x128xf32, #tpu.memory_space<vmem>>, vector<16xf32>,
      %parallel_loop3A_442 = math.log %parallel_loop3A_441 : vector<16xf32>
      %parallel_loop3A_443 = arith.mulf %parallel_loop3A_434, %parallel_loop3A_442 : vector<16xf32>
      %parallel_loop3A_444 = arith.addf %parallel_loop3A_308, %parallel_loop3A_443 : vector<16xf32>
      %parallel_loop3A_445 = arith.constant 1 : i32
      %parallel_loop3A_446 = arith.addi %parallel_loop3A_266, %parallel_loop3A_445 : i32
      %parallel_loop3A_447 = arith.constant 0 : i32
      %parallel_loop3A_448 = arith.index_cast %parallel_loop3A_447 : i32 to index
      %parallel_loop3A_449 = arith.index_cast %parallel_loop3A_446 : i32 to index
      %parallel_loop3A_450 = arith.constant 32 : index
      %parallel_loop3A_451 = tpu.vector_load %arg7[%parallel_loop3A_448, %parallel_loop3A_449, %parallel_loop3A_450] {strides = array<i32>} : memref<2x128x128xf32, #tpu.memory_space<vmem>>, vector<16xf32>,
      %parallel_loop3A_452 = arith.constant 1 : i32
      %parallel_loop3A_453 = arith.addi %parallel_loop3A_266, %parallel_loop3A_452 : i32
      %parallel_loop3A_454 = arith.constant 0 : i32
      %parallel_loop3A_455 = arith.index_cast %parallel_loop3A_454 : i32 to index
      %parallel_loop3A_456 = arith.index_cast %parallel_loop3A_453 : i32 to index
      %parallel_loop3A_457 = arith.constant 32 : index
      %parallel_loop3A_458 = tpu.vector_load %arg8[%parallel_loop3A_455, %parallel_loop3A_456, %parallel_loop3A_457] {strides = array<i32>} : memref<2x128x128xf32, #tpu.memory_space<vmem>>, vector<16xf32>,
      %parallel_loop3A_459 = math.log %parallel_loop3A_458 : vector<16xf32>
      %parallel_loop3A_460 = arith.mulf %parallel_loop3A_451, %parallel_loop3A_459 : vector<16xf32>
      %parallel_loop3A_461 = arith.addf %parallel_loop3A_325, %parallel_loop3A_460 : vector<16xf32>
      %parallel_loop3A_462 = arith.constant 1 : i32
      %parallel_loop3A_463 = arith.addi %parallel_loop3A_266, %parallel_loop3A_462 : i32
      %parallel_loop3A_464 = arith.constant 0 : i32
      %parallel_loop3A_465 = arith.index_cast %parallel_loop3A_464 : i32 to index
      %parallel_loop3A_466 = arith.index_cast %parallel_loop3A_463 : i32 to index
      %parallel_loop3A_467 = arith.constant 48 : index
      %parallel_loop3A_468 = tpu.vector_load %arg7[%parallel_loop3A_465, %parallel_loop3A_466, %parallel_loop3A_467] {strides = array<i32>} : memref<2x128x128xf32, #tpu.memory_space<vmem>>, vector<16xf32>,
      %parallel_loop3A_469 = arith.constant 1 : i32
      %parallel_loop3A_470 = arith.addi %parallel_loop3A_266, %parallel_loop3A_469 : i32
      %parallel_loop3A_471 = arith.constant 0 : i32
      %parallel_loop3A_472 = arith.index_cast %parallel_loop3A_471 : i32 to index
      %parallel_loop3A_473 = arith.index_cast %parallel_loop3A_470 : i32 to index
      %parallel_loop3A_474 = arith.constant 48 : index
      %parallel_loop3A_475 = tpu.vector_load %arg8[%parallel_loop3A_472, %parallel_loop3A_473, %parallel_loop3A_474] {strides = array<i32>} : memref<2x128x128xf32, #tpu.memory_space<vmem>>, vector<16xf32>,
      %parallel_loop3A_476 = math.log %parallel_loop3A_475 : vector<16xf32>
      %parallel_loop3A_477 = arith.mulf %parallel_loop3A_468, %parallel_loop3A_476 : vector<16xf32>
      %parallel_loop3A_478 = arith.addf %parallel_loop3A_342, %parallel_loop3A_477 : vector<16xf32>
      %parallel_loop3A_479 = arith.constant 1 : i32
      %parallel_loop3A_480 = arith.addi %parallel_loop3A_266, %parallel_loop3A_479 : i32
      %parallel_loop3A_481 = arith.constant 0 : i32
      %parallel_loop3A_482 = arith.index_cast %parallel_loop3A_481 : i32 to index
      %parallel_loop3A_483 = arith.index_cast %parallel_loop3A_480 : i32 to index
      %parallel_loop3A_484 = arith.constant 64 : index
      %parallel_loop3A_485 = tpu.vector_load %arg7[%parallel_loop3A_482, %parallel_loop3A_483, %parallel_loop3A_484] {strides = array<i32>} : memref<2x128x128xf32, #tpu.memory_space<vmem>>, vector<16xf32>,
      %parallel_loop3A_486 = arith.constant 1 : i32
      %parallel_loop3A_487 = arith.addi %parallel_loop3A_266, %parallel_loop3A_486 : i32
      %parallel_loop3A_488 = arith.constant 0 : i32
      %parallel_loop3A_489 = arith.index_cast %parallel_loop3A_488 : i32 to index
      %parallel_loop3A_490 = arith.index_cast %parallel_loop3A_487 : i32 to index
      %parallel_loop3A_491 = arith.constant 64 : index
      %parallel_loop3A_492 = tpu.vector_load %arg8[%parallel_loop3A_489, %parallel_loop3A_490, %parallel_loop3A_491] {strides = array<i32>} : memref<2x128x128xf32, #tpu.memory_space<vmem>>, vector<16xf32>,
      %parallel_loop3A_493 = math.log %parallel_loop3A_492 : vector<16xf32>
      %parallel_loop3A_494 = arith.mulf %parallel_loop3A_485, %parallel_loop3A_493 : vector<16xf32>
      %parallel_loop3A_495 = arith.addf %parallel_loop3A_359, %parallel_loop3A_494 : vector<16xf32>
      %parallel_loop3A_496 = arith.constant 1 : i32
      %parallel_loop3A_497 = arith.addi %parallel_loop3A_266, %parallel_loop3A_496 : i32
      %parallel_loop3A_498 = arith.constant 0 : i32
      %parallel_loop3A_499 = arith.index_cast %parallel_loop3A_498 : i32 to index
      %parallel_loop3A_500 = arith.index_cast %parallel_loop3A_497 : i32 to index
      %parallel_loop3A_501 = arith.constant 80 : index
      %parallel_loop3A_502 = tpu.vector_load %arg7[%parallel_loop3A_499, %parallel_loop3A_500, %parallel_loop3A_501] {strides = array<i32>} : memref<2x128x128xf32, #tpu.memory_space<vmem>>, vector<16xf32>,
      %parallel_loop3A_503 = arith.constant 1 : i32
      %parallel_loop3A_504 = arith.addi %parallel_loop3A_266, %parallel_loop3A_503 : i32
      %parallel_loop3A_505 = arith.constant 0 : i32
      %parallel_loop3A_506 = arith.index_cast %parallel_loop3A_505 : i32 to index
      %parallel_loop3A_507 = arith.index_cast %parallel_loop3A_504 : i32 to index
      %parallel_loop3A_508 = arith.constant 80 : index
      %parallel_loop3A_509 = tpu.vector_load %arg8[%parallel_loop3A_506, %parallel_loop3A_507, %parallel_loop3A_508] {strides = array<i32>} : memref<2x128x128xf32, #tpu.memory_space<vmem>>, vector<16xf32>,
      %parallel_loop3A_510 = math.log %parallel_loop3A_509 : vector<16xf32>
      %parallel_loop3A_511 = arith.mulf %parallel_loop3A_502, %parallel_loop3A_510 : vector<16xf32>
      %parallel_loop3A_512 = arith.addf %parallel_loop3A_376, %parallel_loop3A_511 : vector<16xf32>
      %parallel_loop3A_513 = arith.constant 1 : i32
      %parallel_loop3A_514 = arith.addi %parallel_loop3A_266, %parallel_loop3A_513 : i32
      %parallel_loop3A_515 = arith.constant 0 : i32
      %parallel_loop3A_516 = arith.index_cast %parallel_loop3A_515 : i32 to index
      %parallel_loop3A_517 = arith.index_cast %parallel_loop3A_514 : i32 to index
      %parallel_loop3A_518 = arith.constant 96 : index
      %parallel_loop3A_519 = tpu.vector_load %arg7[%parallel_loop3A_516, %parallel_loop3A_517, %parallel_loop3A_518] {strides = array<i32>} : memref<2x128x128xf32, #tpu.memory_space<vmem>>, vector<16xf32>,
      %parallel_loop3A_520 = arith.constant 1 : i32
      %parallel_loop3A_521 = arith.addi %parallel_loop3A_266, %parallel_loop3A_520 : i32
      %parallel_loop3A_522 = arith.constant 0 : i32
      %parallel_loop3A_523 = arith.index_cast %parallel_loop3A_522 : i32 to index
      %parallel_loop3A_524 = arith.index_cast %parallel_loop3A_521 : i32 to index
      %parallel_loop3A_525 = arith.constant 96 : index
      %parallel_loop3A_526 = tpu.vector_load %arg8[%parallel_loop3A_523, %parallel_loop3A_524, %parallel_loop3A_525] {strides = array<i32>} : memref<2x128x128xf32, #tpu.memory_space<vmem>>, vector<16xf32>,
      %parallel_loop3A_527 = math.log %parallel_loop3A_526 : vector<16xf32>
      %parallel_loop3A_528 = arith.mulf %parallel_loop3A_519, %parallel_loop3A_527 : vector<16xf32>
      %parallel_loop3A_529 = arith.addf %parallel_loop3A_393, %parallel_loop3A_528 : vector<16xf32>
      %parallel_loop3A_530 = arith.constant 1 : i32
      %parallel_loop3A_531 = arith.addi %parallel_loop3A_266, %parallel_loop3A_530 : i32
      %parallel_loop3A_532 = arith.constant 0 : i32
      %parallel_loop3A_533 = arith.index_cast %parallel_loop3A_532 : i32 to index
      %parallel_loop3A_534 = arith.index_cast %parallel_loop3A_531 : i32 to index
      %parallel_loop3A_535 = arith.constant 112 : index
      %parallel_loop3A_536 = tpu.vector_load %arg7[%parallel_loop3A_533, %parallel_loop3A_534, %parallel_loop3A_535] {strides = array<i32>} : memref<2x128x128xf32, #tpu.memory_space<vmem>>, vector<16xf32>,
      %parallel_loop3A_537 = arith.constant 1 : i32
      %parallel_loop3A_538 = arith.addi %parallel_loop3A_266, %parallel_loop3A_537 : i32
      %parallel_loop3A_539 = arith.constant 0 : i32
      %parallel_loop3A_540 = arith.index_cast %parallel_loop3A_539 : i32 to index
      %parallel_loop3A_541 = arith.index_cast %parallel_loop3A_538 : i32 to index
      %parallel_loop3A_542 = arith.constant 112 : index
      %parallel_loop3A_543 = tpu.vector_load %arg8[%parallel_loop3A_540, %parallel_loop3A_541, %parallel_loop3A_542] {strides = array<i32>} : memref<2x128x128xf32, #tpu.memory_space<vmem>>, vector<16xf32>,
      %parallel_loop3A_544 = math.log %parallel_loop3A_543 : vector<16xf32>
      %parallel_loop3A_545 = arith.mulf %parallel_loop3A_536, %parallel_loop3A_544 : vector<16xf32>
      %parallel_loop3A_546 = arith.addf %parallel_loop3A_410, %parallel_loop3A_545 : vector<16xf32>
      scf.yield %parallel_loop3A_427, %parallel_loop3A_444, %parallel_loop3A_461, %parallel_loop3A_478, %parallel_loop3A_495, %parallel_loop3A_512, %parallel_loop3A_529, %parallel_loop3A_546 : vector<16xf32>, vector<16xf32>, vector<16xf32>, vector<16xf32>, vector<16xf32>, vector<16xf32>, vector<16xf32>, vector<16xf32>
    } {sc.loop_unroll_factor = 1 : i64, sc.parallel_access}
    %dma_start3A_93 = arith.constant 2 : i32
    %dma_start3A_94 = arith.constant 0 : i32
    %dma_start3A_95 = arith.constant 0 : i32
    %dma_start3A_96 = arith.constant 0 : i32
    %dma_start3A_97 = tpu.memref_slice %arg7[%dma_start3A_94, %dma_start3A_95, %dma_start3A_96] : memref<2x128x128xf32, #tpu.memory_space<vmem>> -> memref<1x128x128xf32, #tpu.memory_space<vmem>>
    %dma_start3A_98 = tpu.memref_squeeze %dma_start3A_97 : memref<1x128x128xf32, #tpu.memory_space<vmem>> -> memref<128x128xf32, #tpu.memory_space<vmem>>
    %dma_start3A_99 = arith.constant 0 : i32
    %dma_start3A_100 = tpu.memref_slice %arg6[%dma_start3A_93, %dma_start3A_99] : memref<4x128xi32, #tpu.memory_space<vmem>> -> memref<1x128xi32, #tpu.memory_space<vmem>>
    %dma_start3A_101 = tpu.memref_squeeze %dma_start3A_100 : memref<1x128xi32, #tpu.memory_space<vmem>> -> memref<128xi32, #tpu.memory_space<vmem>>
    %dma_start3A_102 = arith.constant 0 : i32
    %dma_start3A_103 = arith.constant 0 : i32
    %dma_start3A_104 = tpu.memref_slice %arg4[%dma_start3A_102, %dma_start3A_103] : memref<1000000x128xf32, #tpu.memory_space<hbm>> -> memref<1000000x128xf32, #tpu.memory_space<hbm>>
    tpu.enqueue_indirect_dma source(%dma_start3A_104 : memref<1000000x128xf32, #tpu.memory_space<hbm>>) target(%dma_start3A_98 : memref<128x128xf32, #tpu.memory_space<vmem>>) offsets(%dma_start3A_101 : memref<128xi32, #tpu.memory_space<vmem>>) semaphore(%arg10 : memref<!tpu.dma_semaphore, #tpu.memory_space<semaphore_mem>>)
    %dma_start3A_105 = arith.constant 2 : i32
    %dma_start3A_106 = arith.constant 0 : i32
    %dma_start3A_107 = arith.constant 0 : i32
    %dma_start3A_108 = arith.constant 0 : i32
    %dma_start3A_109 = tpu.memref_slice %arg8[%dma_start3A_106, %dma_start3A_107, %dma_start3A_108] : memref<2x128x128xf32, #tpu.memory_space<vmem>> -> memref<1x128x128xf32, #tpu.memory_space<vmem>>
    %dma_start3A_110 = tpu.memref_squeeze %dma_start3A_109 : memref<1x128x128xf32, #tpu.memory_space<vmem>> -> memref<128x128xf32, #tpu.memory_space<vmem>>
    %dma_start3A_111 = arith.constant 0 : i32
    %dma_start3A_112 = arith.constant 0 : i32
    %dma_start3A_113 = tpu.memref_slice %arg3[%add3A, %dma_start3A_105, %dma_start3A_111, %dma_start3A_112] : memref<32x4x128x128xf32, #tpu.memory_space<hbm>> -> memref<1x1x128x128xf32, #tpu.memory_space<hbm>>
    %dma_start3A_114 = tpu.memref_squeeze %dma_start3A_113 : memref<1x1x128x128xf32, #tpu.memory_space<hbm>> -> memref<128x128xf32, #tpu.memory_space<hbm>>
    %dma_start3A_115 = arith.constant 0 : i32
    %dma_start3A_116 = arith.constant 0 : i32
    %dma_start3A_117 = tpu.memref_slice %arg8[%dma_start3A_106, %dma_start3A_115, %dma_start3A_116] : memref<2x128x128xf32, #tpu.memory_space<vmem>> -> memref<1x128x128xf32, #tpu.memory_space<vmem>>
    %dma_start3A_118 = tpu.memref_squeeze %dma_start3A_117 : memref<1x128x128xf32, #tpu.memory_space<vmem>> -> memref<128x128xf32, #tpu.memory_space<vmem>>
    %dma_start3A_119 = arith.constant 0 : i32
    %dma_start3A_120 = arith.constant 0 : i32
    %dma_start3A_121 = tpu.memref_slice %arg3[%add3A, %dma_start3A_105, %dma_start3A_119, %dma_start3A_120] : memref<32x4x128x128xf32, #tpu.memory_space<hbm>> -> memref<1x1x128x128xf32, #tpu.memory_space<hbm>>
    %dma_start3A_122 = tpu.memref_squeeze %dma_start3A_121 : memref<1x1x128x128xf32, #tpu.memory_space<hbm>> -> memref<128x128xf32, #tpu.memory_space<hbm>>
    tpu.enqueue_dma source(%dma_start3A_122 : memref<128x128xf32, #tpu.memory_space<hbm>>) target(%dma_start3A_118 : memref<128x128xf32, #tpu.memory_space<vmem>>) target_semaphore(%arg12 : memref<!tpu.dma_semaphore, #tpu.memory_space<semaphore_mem>>)
    %dma_wait3A_123 = arith.constant 1 : i32
    %dma_wait3A_124 = arith.constant 1 : i32
    %dma_wait3A_125 = arith.constant 0 : i32
    %dma_wait3A_126 = arith.constant 0 : i32
    %dma_wait3A_127 = tpu.memref_slice %arg7[%dma_wait3A_124, %dma_wait3A_125, %dma_wait3A_126] : memref<2x128x128xf32, #tpu.memory_space<vmem>> -> memref<1x128x128xf32, #tpu.memory_space<vmem>>
    %dma_wait3A_128 = tpu.memref_squeeze %dma_wait3A_127 : memref<1x128x128xf32, #tpu.memory_space<vmem>> -> memref<128x128xf32, #tpu.memory_space<vmem>>
    %dma_wait3A_129 = arith.constant 0 : i32
    %dma_wait3A_130 = tpu.memref_slice %arg6[%dma_wait3A_123, %dma_wait3A_129] : memref<4x128xi32, #tpu.memory_space<vmem>> -> memref<1x128xi32, #tpu.memory_space<vmem>>
    %dma_wait3A_131 = tpu.memref_squeeze %dma_wait3A_130 : memref<1x128xi32, #tpu.memory_space<vmem>> -> memref<128xi32, #tpu.memory_space<vmem>>
    %dma_wait3A_132 = arith.constant 0 : i32
    %dma_wait3A_133 = arith.constant 0 : i32
    %dma_wait3A_134 = tpu.memref_slice %arg4[%dma_wait3A_132, %dma_wait3A_133] : memref<1000000x128xf32, #tpu.memory_space<hbm>> -> memref<1000000x128xf32, #tpu.memory_space<hbm>>
    tpu.wait_indirect_dma semaphore(%arg11 : memref<!tpu.dma_semaphore, #tpu.memory_space<semaphore_mem>>) src(%dma_wait3A_134 : memref<1000000x128xf32, #tpu.memory_space<hbm>>) dst(%dma_wait3A_128 : memref<128x128xf32, #tpu.memory_space<vmem>>)
    %dma_wait3A_135 = arith.constant 1 : i32
    %dma_wait3A_136 = arith.constant 1 : i32
    %dma_wait3A_137 = arith.constant 0 : i32
    %dma_wait3A_138 = arith.constant 0 : i32
    %dma_wait3A_139 = tpu.memref_slice %arg8[%dma_wait3A_136, %dma_wait3A_137, %dma_wait3A_138] : memref<2x128x128xf32, #tpu.memory_space<vmem>> -> memref<1x128x128xf32, #tpu.memory_space<vmem>>
    %dma_wait3A_140 = tpu.memref_squeeze %dma_wait3A_139 : memref<1x128x128xf32, #tpu.memory_space<vmem>> -> memref<128x128xf32, #tpu.memory_space<vmem>>
    %dma_wait3A_141 = arith.constant 0 : i32
    %dma_wait3A_142 = arith.constant 0 : i32
    %dma_wait3A_143 = tpu.memref_slice %arg3[%add3A, %dma_wait3A_135, %dma_wait3A_141, %dma_wait3A_142] : memref<32x4x128x128xf32, #tpu.memory_space<hbm>> -> memref<1x1x128x128xf32, #tpu.memory_space<hbm>>
    %dma_wait3A_144 = tpu.memref_squeeze %dma_wait3A_143 : memref<1x1x128x128xf32, #tpu.memory_space<hbm>> -> memref<128x128xf32, #tpu.memory_space<hbm>>
    %dma_wait3A_145 = arith.constant 0 : i32
    %dma_wait3A_146 = arith.constant 0 : i32
    %dma_wait3A_147 = tpu.memref_slice %arg8[%dma_wait3A_136, %dma_wait3A_145, %dma_wait3A_146] : memref<2x128x128xf32, #tpu.memory_space<vmem>> -> memref<1x128x128xf32, #tpu.memory_space<vmem>>
    %dma_wait3A_148 = tpu.memref_squeeze %dma_wait3A_147 : memref<1x128x128xf32, #tpu.memory_space<vmem>> -> memref<128x128xf32, #tpu.memory_space<vmem>>
    %dma_wait3A_149 = arith.constant 0 : i32
    %dma_wait3A_150 = arith.constant 0 : i32
    %dma_wait3A_151 = tpu.memref_slice %arg3[%add3A, %dma_wait3A_135, %dma_wait3A_149, %dma_wait3A_150] : memref<32x4x128x128xf32, #tpu.memory_space<hbm>> -> memref<1x1x128x128xf32, #tpu.memory_space<hbm>>
    %dma_wait3A_152 = tpu.memref_squeeze %dma_wait3A_151 : memref<1x1x128x128xf32, #tpu.memory_space<hbm>> -> memref<128x128xf32, #tpu.memory_space<hbm>>
    tpu.wait_dma2 semaphore(%arg13 : memref<!tpu.dma_semaphore, #tpu.memory_space<semaphore_mem>>) src(%dma_wait3A_152 : memref<128x128xf32, #tpu.memory_space<hbm>>) dst(%dma_wait3A_148 : memref<128x128xf32, #tpu.memory_space<vmem>>)
    %parallel_loop3A_153 = arith.constant 0 : i32
    %parallel_loop3A_154 = arith.constant 128 : i32
    %parallel_loop3A_155 = arith.constant 2 : i32
    %parallel_loop3A_156:8 = scf.for %parallel_loop3A_266 = %parallel_loop3A_153 to %parallel_loop3A_154 step %parallel_loop3A_155 iter_args(%parallel_loop3A_267 = %parallel_loop3A_92#0, %parallel_loop3A_268 = %parallel_loop3A_92#1, %parallel_loop3A_269 = %parallel_loop3A_92#2, %parallel_loop3A_270 = %parallel_loop3A_92#3, %parallel_loop3A_271 = %parallel_loop3A_92#4, %parallel_loop3A_272 = %parallel_loop3A_92#5, %parallel_loop3A_273 = %parallel_loop3A_92#6, %parallel_loop3A_274 = %parallel_loop3A_92#7) -> (vector<16xf32>, vector<16xf32>, vector<16xf32>, vector<16xf32>, vector<16xf32>, vector<16xf32>, vector<16xf32>, vector<16xf32>)  : i32 {
      %parallel_loop3A_275 = arith.constant 0 : i32
      %parallel_loop3A_276 = arith.addi %parallel_loop3A_266, %parallel_loop3A_275 : i32
      %parallel_loop3A_277 = arith.constant 1 : i32
      %parallel_loop3A_278 = arith.index_cast %parallel_loop3A_277 : i32 to index
      %parallel_loop3A_279 = arith.index_cast %parallel_loop3A_276 : i32 to index
      %parallel_loop3A_280 = arith.constant 0 : index
      %parallel_loop3A_281 = tpu.vector_load %arg7[%parallel_loop3A_278, %parallel_loop3A_279, %parallel_loop3A_280] {strides = array<i32>} : memref<2x128x128xf32, #tpu.memory_space<vmem>>, vector<16xf32>,
      %parallel_loop3A_282 = arith.constant 0 : i32
      %parallel_loop3A_283 = arith.addi %parallel_loop3A_266, %parallel_loop3A_282 : i32
      %parallel_loop3A_284 = arith.constant 1 : i32
      %parallel_loop3A_285 = arith.index_cast %parallel_loop3A_284 : i32 to index
      %parallel_loop3A_286 = arith.index_cast %parallel_loop3A_283 : i32 to index
      %parallel_loop3A_287 = arith.constant 0 : index
      %parallel_loop3A_288 = tpu.vector_load %arg8[%parallel_loop3A_285, %parallel_loop3A_286, %parallel_loop3A_287] {strides = array<i32>} : memref<2x128x128xf32, #tpu.memory_space<vmem>>, vector<16xf32>,
      %parallel_loop3A_289 = math.log %parallel_loop3A_288 : vector<16xf32>
      %parallel_loop3A_290 = arith.mulf %parallel_loop3A_281, %parallel_loop3A_289 : vector<16xf32>
      %parallel_loop3A_291 = arith.addf %parallel_loop3A_267, %parallel_loop3A_290 : vector<16xf32>
      %parallel_loop3A_292 = arith.constant 0 : i32
      %parallel_loop3A_293 = arith.addi %parallel_loop3A_266, %parallel_loop3A_292 : i32
      %parallel_loop3A_294 = arith.constant 1 : i32
      %parallel_loop3A_295 = arith.index_cast %parallel_loop3A_294 : i32 to index
      %parallel_loop3A_296 = arith.index_cast %parallel_loop3A_293 : i32 to index
      %parallel_loop3A_297 = arith.constant 16 : index
      %parallel_loop3A_298 = tpu.vector_load %arg7[%parallel_loop3A_295, %parallel_loop3A_296, %parallel_loop3A_297] {strides = array<i32>} : memref<2x128x128xf32, #tpu.memory_space<vmem>>, vector<16xf32>,
      %parallel_loop3A_299 = arith.constant 0 : i32
      %parallel_loop3A_300 = arith.addi %parallel_loop3A_266, %parallel_loop3A_299 : i32
      %parallel_loop3A_301 = arith.constant 1 : i32
      %parallel_loop3A_302 = arith.index_cast %parallel_loop3A_301 : i32 to index
      %parallel_loop3A_303 = arith.index_cast %parallel_loop3A_300 : i32 to index
      %parallel_loop3A_304 = arith.constant 16 : index
      %parallel_loop3A_305 = tpu.vector_load %arg8[%parallel_loop3A_302, %parallel_loop3A_303, %parallel_loop3A_304] {strides = array<i32>} : memref<2x128x128xf32, #tpu.memory_space<vmem>>, vector<16xf32>,
      %parallel_loop3A_306 = math.log %parallel_loop3A_305 : vector<16xf32>
      %parallel_loop3A_307 = arith.mulf %parallel_loop3A_298, %parallel_loop3A_306 : vector<16xf32>
      %parallel_loop3A_308 = arith.addf %parallel_loop3A_268, %parallel_loop3A_307 : vector<16xf32>
      %parallel_loop3A_309 = arith.constant 0 : i32
      %parallel_loop3A_310 = arith.addi %parallel_loop3A_266, %parallel_loop3A_309 : i32
      %parallel_loop3A_311 = arith.constant 1 : i32
      %parallel_loop3A_312 = arith.index_cast %parallel_loop3A_311 : i32 to index
      %parallel_loop3A_313 = arith.index_cast %parallel_loop3A_310 : i32 to index
      %parallel_loop3A_314 = arith.constant 32 : index
      %parallel_loop3A_315 = tpu.vector_load %arg7[%parallel_loop3A_312, %parallel_loop3A_313, %parallel_loop3A_314] {strides = array<i32>} : memref<2x128x128xf32, #tpu.memory_space<vmem>>, vector<16xf32>,
      %parallel_loop3A_316 = arith.constant 0 : i32
      %parallel_loop3A_317 = arith.addi %parallel_loop3A_266, %parallel_loop3A_316 : i32
      %parallel_loop3A_318 = arith.constant 1 : i32
      %parallel_loop3A_319 = arith.index_cast %parallel_loop3A_318 : i32 to index
      %parallel_loop3A_320 = arith.index_cast %parallel_loop3A_317 : i32 to index
      %parallel_loop3A_321 = arith.constant 32 : index
      %parallel_loop3A_322 = tpu.vector_load %arg8[%parallel_loop3A_319, %parallel_loop3A_320, %parallel_loop3A_321] {strides = array<i32>} : memref<2x128x128xf32, #tpu.memory_space<vmem>>, vector<16xf32>,
      %parallel_loop3A_323 = math.log %parallel_loop3A_322 : vector<16xf32>
      %parallel_loop3A_324 = arith.mulf %parallel_loop3A_315, %parallel_loop3A_323 : vector<16xf32>
      %parallel_loop3A_325 = arith.addf %parallel_loop3A_269, %parallel_loop3A_324 : vector<16xf32>
      %parallel_loop3A_326 = arith.constant 0 : i32
      %parallel_loop3A_327 = arith.addi %parallel_loop3A_266, %parallel_loop3A_326 : i32
      %parallel_loop3A_328 = arith.constant 1 : i32
      %parallel_loop3A_329 = arith.index_cast %parallel_loop3A_328 : i32 to index
      %parallel_loop3A_330 = arith.index_cast %parallel_loop3A_327 : i32 to index
      %parallel_loop3A_331 = arith.constant 48 : index
      %parallel_loop3A_332 = tpu.vector_load %arg7[%parallel_loop3A_329, %parallel_loop3A_330, %parallel_loop3A_331] {strides = array<i32>} : memref<2x128x128xf32, #tpu.memory_space<vmem>>, vector<16xf32>,
      %parallel_loop3A_333 = arith.constant 0 : i32
      %parallel_loop3A_334 = arith.addi %parallel_loop3A_266, %parallel_loop3A_333 : i32
      %parallel_loop3A_335 = arith.constant 1 : i32
      %parallel_loop3A_336 = arith.index_cast %parallel_loop3A_335 : i32 to index
      %parallel_loop3A_337 = arith.index_cast %parallel_loop3A_334 : i32 to index
      %parallel_loop3A_338 = arith.constant 48 : index
      %parallel_loop3A_339 = tpu.vector_load %arg8[%parallel_loop3A_336, %parallel_loop3A_337, %parallel_loop3A_338] {strides = array<i32>} : memref<2x128x128xf32, #tpu.memory_space<vmem>>, vector<16xf32>,
      %parallel_loop3A_340 = math.log %parallel_loop3A_339 : vector<16xf32>
      %parallel_loop3A_341 = arith.mulf %parallel_loop3A_332, %parallel_loop3A_340 : vector<16xf32>
      %parallel_loop3A_342 = arith.addf %parallel_loop3A_270, %parallel_loop3A_341 : vector<16xf32>
      %parallel_loop3A_343 = arith.constant 0 : i32
      %parallel_loop3A_344 = arith.addi %parallel_loop3A_266, %parallel_loop3A_343 : i32
      %parallel_loop3A_345 = arith.constant 1 : i32
      %parallel_loop3A_346 = arith.index_cast %parallel_loop3A_345 : i32 to index
      %parallel_loop3A_347 = arith.index_cast %parallel_loop3A_344 : i32 to index
      %parallel_loop3A_348 = arith.constant 64 : index
      %parallel_loop3A_349 = tpu.vector_load %arg7[%parallel_loop3A_346, %parallel_loop3A_347, %parallel_loop3A_348] {strides = array<i32>} : memref<2x128x128xf32, #tpu.memory_space<vmem>>, vector<16xf32>,
      %parallel_loop3A_350 = arith.constant 0 : i32
      %parallel_loop3A_351 = arith.addi %parallel_loop3A_266, %parallel_loop3A_350 : i32
      %parallel_loop3A_352 = arith.constant 1 : i32
      %parallel_loop3A_353 = arith.index_cast %parallel_loop3A_352 : i32 to index
      %parallel_loop3A_354 = arith.index_cast %parallel_loop3A_351 : i32 to index
      %parallel_loop3A_355 = arith.constant 64 : index
      %parallel_loop3A_356 = tpu.vector_load %arg8[%parallel_loop3A_353, %parallel_loop3A_354, %parallel_loop3A_355] {strides = array<i32>} : memref<2x128x128xf32, #tpu.memory_space<vmem>>, vector<16xf32>,
      %parallel_loop3A_357 = math.log %parallel_loop3A_356 : vector<16xf32>
      %parallel_loop3A_358 = arith.mulf %parallel_loop3A_349, %parallel_loop3A_357 : vector<16xf32>
      %parallel_loop3A_359 = arith.addf %parallel_loop3A_271, %parallel_loop3A_358 : vector<16xf32>
      %parallel_loop3A_360 = arith.constant 0 : i32
      %parallel_loop3A_361 = arith.addi %parallel_loop3A_266, %parallel_loop3A_360 : i32
      %parallel_loop3A_362 = arith.constant 1 : i32
      %parallel_loop3A_363 = arith.index_cast %parallel_loop3A_362 : i32 to index
      %parallel_loop3A_364 = arith.index_cast %parallel_loop3A_361 : i32 to index
      %parallel_loop3A_365 = arith.constant 80 : index
      %parallel_loop3A_366 = tpu.vector_load %arg7[%parallel_loop3A_363, %parallel_loop3A_364, %parallel_loop3A_365] {strides = array<i32>} : memref<2x128x128xf32, #tpu.memory_space<vmem>>, vector<16xf32>,
      %parallel_loop3A_367 = arith.constant 0 : i32
      %parallel_loop3A_368 = arith.addi %parallel_loop3A_266, %parallel_loop3A_367 : i32
      %parallel_loop3A_369 = arith.constant 1 : i32
      %parallel_loop3A_370 = arith.index_cast %parallel_loop3A_369 : i32 to index
      %parallel_loop3A_371 = arith.index_cast %parallel_loop3A_368 : i32 to index
      %parallel_loop3A_372 = arith.constant 80 : index
      %parallel_loop3A_373 = tpu.vector_load %arg8[%parallel_loop3A_370, %parallel_loop3A_371, %parallel_loop3A_372] {strides = array<i32>} : memref<2x128x128xf32, #tpu.memory_space<vmem>>, vector<16xf32>,
      %parallel_loop3A_374 = math.log %parallel_loop3A_373 : vector<16xf32>
      %parallel_loop3A_375 = arith.mulf %parallel_loop3A_366, %parallel_loop3A_374 : vector<16xf32>
      %parallel_loop3A_376 = arith.addf %parallel_loop3A_272, %parallel_loop3A_375 : vector<16xf32>
      %parallel_loop3A_377 = arith.constant 0 : i32
      %parallel_loop3A_378 = arith.addi %parallel_loop3A_266, %parallel_loop3A_377 : i32
      %parallel_loop3A_379 = arith.constant 1 : i32
      %parallel_loop3A_380 = arith.index_cast %parallel_loop3A_379 : i32 to index
      %parallel_loop3A_381 = arith.index_cast %parallel_loop3A_378 : i32 to index
      %parallel_loop3A_382 = arith.constant 96 : index
      %parallel_loop3A_383 = tpu.vector_load %arg7[%parallel_loop3A_380, %parallel_loop3A_381, %parallel_loop3A_382] {strides = array<i32>} : memref<2x128x128xf32, #tpu.memory_space<vmem>>, vector<16xf32>,
      %parallel_loop3A_384 = arith.constant 0 : i32
      %parallel_loop3A_385 = arith.addi %parallel_loop3A_266, %parallel_loop3A_384 : i32
      %parallel_loop3A_386 = arith.constant 1 : i32
      %parallel_loop3A_387 = arith.index_cast %parallel_loop3A_386 : i32 to index
      %parallel_loop3A_388 = arith.index_cast %parallel_loop3A_385 : i32 to index
      %parallel_loop3A_389 = arith.constant 96 : index
      %parallel_loop3A_390 = tpu.vector_load %arg8[%parallel_loop3A_387, %parallel_loop3A_388, %parallel_loop3A_389] {strides = array<i32>} : memref<2x128x128xf32, #tpu.memory_space<vmem>>, vector<16xf32>,
      %parallel_loop3A_391 = math.log %parallel_loop3A_390 : vector<16xf32>
      %parallel_loop3A_392 = arith.mulf %parallel_loop3A_383, %parallel_loop3A_391 : vector<16xf32>
      %parallel_loop3A_393 = arith.addf %parallel_loop3A_273, %parallel_loop3A_392 : vector<16xf32>
      %parallel_loop3A_394 = arith.constant 0 : i32
      %parallel_loop3A_395 = arith.addi %parallel_loop3A_266, %parallel_loop3A_394 : i32
      %parallel_loop3A_396 = arith.constant 1 : i32
      %parallel_loop3A_397 = arith.index_cast %parallel_loop3A_396 : i32 to index
      %parallel_loop3A_398 = arith.index_cast %parallel_loop3A_395 : i32 to index
      %parallel_loop3A_399 = arith.constant 112 : index
      %parallel_loop3A_400 = tpu.vector_load %arg7[%parallel_loop3A_397, %parallel_loop3A_398, %parallel_loop3A_399] {strides = array<i32>} : memref<2x128x128xf32, #tpu.memory_space<vmem>>, vector<16xf32>,
      %parallel_loop3A_401 = arith.constant 0 : i32
      %parallel_loop3A_402 = arith.addi %parallel_loop3A_266, %parallel_loop3A_401 : i32
      %parallel_loop3A_403 = arith.constant 1 : i32
      %parallel_loop3A_404 = arith.index_cast %parallel_loop3A_403 : i32 to index
      %parallel_loop3A_405 = arith.index_cast %parallel_loop3A_402 : i32 to index
      %parallel_loop3A_406 = arith.constant 112 : index
      %parallel_loop3A_407 = tpu.vector_load %arg8[%parallel_loop3A_404, %parallel_loop3A_405, %parallel_loop3A_406] {strides = array<i32>} : memref<2x128x128xf32, #tpu.memory_space<vmem>>, vector<16xf32>,
      %parallel_loop3A_408 = math.log %parallel_loop3A_407 : vector<16xf32>
      %parallel_loop3A_409 = arith.mulf %parallel_loop3A_400, %parallel_loop3A_408 : vector<16xf32>
      %parallel_loop3A_410 = arith.addf %parallel_loop3A_274, %parallel_loop3A_409 : vector<16xf32>
      %parallel_loop3A_411 = arith.constant 1 : i32
      %parallel_loop3A_412 = arith.addi %parallel_loop3A_266, %parallel_loop3A_411 : i32
      %parallel_loop3A_413 = arith.constant 1 : i32
      %parallel_loop3A_414 = arith.index_cast %parallel_loop3A_413 : i32 to index
      %parallel_loop3A_415 = arith.index_cast %parallel_loop3A_412 : i32 to index
      %parallel_loop3A_416 = arith.constant 0 : index
      %parallel_loop3A_417 = tpu.vector_load %arg7[%parallel_loop3A_414, %parallel_loop3A_415, %parallel_loop3A_416] {strides = array<i32>} : memref<2x128x128xf32, #tpu.memory_space<vmem>>, vector<16xf32>,
      %parallel_loop3A_418 = arith.constant 1 : i32
      %parallel_loop3A_419 = arith.addi %parallel_loop3A_266, %parallel_loop3A_418 : i32
      %parallel_loop3A_420 = arith.constant 1 : i32
      %parallel_loop3A_421 = arith.index_cast %parallel_loop3A_420 : i32 to index
      %parallel_loop3A_422 = arith.index_cast %parallel_loop3A_419 : i32 to index
      %parallel_loop3A_423 = arith.constant 0 : index
      %parallel_loop3A_424 = tpu.vector_load %arg8[%parallel_loop3A_421, %parallel_loop3A_422, %parallel_loop3A_423] {strides = array<i32>} : memref<2x128x128xf32, #tpu.memory_space<vmem>>, vector<16xf32>,
      %parallel_loop3A_425 = math.log %parallel_loop3A_424 : vector<16xf32>
      %parallel_loop3A_426 = arith.mulf %parallel_loop3A_417, %parallel_loop3A_425 : vector<16xf32>
      %parallel_loop3A_427 = arith.addf %parallel_loop3A_291, %parallel_loop3A_426 : vector<16xf32>
      %parallel_loop3A_428 = arith.constant 1 : i32
      %parallel_loop3A_429 = arith.addi %parallel_loop3A_266, %parallel_loop3A_428 : i32
      %parallel_loop3A_430 = arith.constant 1 : i32
      %parallel_loop3A_431 = arith.index_cast %parallel_loop3A_430 : i32 to index
      %parallel_loop3A_432 = arith.index_cast %parallel_loop3A_429 : i32 to index
      %parallel_loop3A_433 = arith.constant 16 : index
      %parallel_loop3A_434 = tpu.vector_load %arg7[%parallel_loop3A_431, %parallel_loop3A_432, %parallel_loop3A_433] {strides = array<i32>} : memref<2x128x128xf32, #tpu.memory_space<vmem>>, vector<16xf32>,
      %parallel_loop3A_435 = arith.constant 1 : i32
      %parallel_loop3A_436 = arith.addi %parallel_loop3A_266, %parallel_loop3A_435 : i32
      %parallel_loop3A_437 = arith.constant 1 : i32
      %parallel_loop3A_438 = arith.index_cast %parallel_loop3A_437 : i32 to index
      %parallel_loop3A_439 = arith.index_cast %parallel_loop3A_436 : i32 to index
      %parallel_loop3A_440 = arith.constant 16 : index
      %parallel_loop3A_441 = tpu.vector_load %arg8[%parallel_loop3A_438, %parallel_loop3A_439, %parallel_loop3A_440] {strides = array<i32>} : memref<2x128x128xf32, #tpu.memory_space<vmem>>, vector<16xf32>,
      %parallel_loop3A_442 = math.log %parallel_loop3A_441 : vector<16xf32>
      %parallel_loop3A_443 = arith.mulf %parallel_loop3A_434, %parallel_loop3A_442 : vector<16xf32>
      %parallel_loop3A_444 = arith.addf %parallel_loop3A_308, %parallel_loop3A_443 : vector<16xf32>
      %parallel_loop3A_445 = arith.constant 1 : i32
      %parallel_loop3A_446 = arith.addi %parallel_loop3A_266, %parallel_loop3A_445 : i32
      %parallel_loop3A_447 = arith.constant 1 : i32
      %parallel_loop3A_448 = arith.index_cast %parallel_loop3A_447 : i32 to index
      %parallel_loop3A_449 = arith.index_cast %parallel_loop3A_446 : i32 to index
      %parallel_loop3A_450 = arith.constant 32 : index
      %parallel_loop3A_451 = tpu.vector_load %arg7[%parallel_loop3A_448, %parallel_loop3A_449, %parallel_loop3A_450] {strides = array<i32>} : memref<2x128x128xf32, #tpu.memory_space<vmem>>, vector<16xf32>,
      %parallel_loop3A_452 = arith.constant 1 : i32
      %parallel_loop3A_453 = arith.addi %parallel_loop3A_266, %parallel_loop3A_452 : i32
      %parallel_loop3A_454 = arith.constant 1 : i32
      %parallel_loop3A_455 = arith.index_cast %parallel_loop3A_454 : i32 to index
      %parallel_loop3A_456 = arith.index_cast %parallel_loop3A_453 : i32 to index
      %parallel_loop3A_457 = arith.constant 32 : index
      %parallel_loop3A_458 = tpu.vector_load %arg8[%parallel_loop3A_455, %parallel_loop3A_456, %parallel_loop3A_457] {strides = array<i32>} : memref<2x128x128xf32, #tpu.memory_space<vmem>>, vector<16xf32>,
      %parallel_loop3A_459 = math.log %parallel_loop3A_458 : vector<16xf32>
      %parallel_loop3A_460 = arith.mulf %parallel_loop3A_451, %parallel_loop3A_459 : vector<16xf32>
      %parallel_loop3A_461 = arith.addf %parallel_loop3A_325, %parallel_loop3A_460 : vector<16xf32>
      %parallel_loop3A_462 = arith.constant 1 : i32
      %parallel_loop3A_463 = arith.addi %parallel_loop3A_266, %parallel_loop3A_462 : i32
      %parallel_loop3A_464 = arith.constant 1 : i32
      %parallel_loop3A_465 = arith.index_cast %parallel_loop3A_464 : i32 to index
      %parallel_loop3A_466 = arith.index_cast %parallel_loop3A_463 : i32 to index
      %parallel_loop3A_467 = arith.constant 48 : index
      %parallel_loop3A_468 = tpu.vector_load %arg7[%parallel_loop3A_465, %parallel_loop3A_466, %parallel_loop3A_467] {strides = array<i32>} : memref<2x128x128xf32, #tpu.memory_space<vmem>>, vector<16xf32>,
      %parallel_loop3A_469 = arith.constant 1 : i32
      %parallel_loop3A_470 = arith.addi %parallel_loop3A_266, %parallel_loop3A_469 : i32
      %parallel_loop3A_471 = arith.constant 1 : i32
      %parallel_loop3A_472 = arith.index_cast %parallel_loop3A_471 : i32 to index
      %parallel_loop3A_473 = arith.index_cast %parallel_loop3A_470 : i32 to index
      %parallel_loop3A_474 = arith.constant 48 : index
      %parallel_loop3A_475 = tpu.vector_load %arg8[%parallel_loop3A_472, %parallel_loop3A_473, %parallel_loop3A_474] {strides = array<i32>} : memref<2x128x128xf32, #tpu.memory_space<vmem>>, vector<16xf32>,
      %parallel_loop3A_476 = math.log %parallel_loop3A_475 : vector<16xf32>
      %parallel_loop3A_477 = arith.mulf %parallel_loop3A_468, %parallel_loop3A_476 : vector<16xf32>
      %parallel_loop3A_478 = arith.addf %parallel_loop3A_342, %parallel_loop3A_477 : vector<16xf32>
      %parallel_loop3A_479 = arith.constant 1 : i32
      %parallel_loop3A_480 = arith.addi %parallel_loop3A_266, %parallel_loop3A_479 : i32
      %parallel_loop3A_481 = arith.constant 1 : i32
      %parallel_loop3A_482 = arith.index_cast %parallel_loop3A_481 : i32 to index
      %parallel_loop3A_483 = arith.index_cast %parallel_loop3A_480 : i32 to index
      %parallel_loop3A_484 = arith.constant 64 : index
      %parallel_loop3A_485 = tpu.vector_load %arg7[%parallel_loop3A_482, %parallel_loop3A_483, %parallel_loop3A_484] {strides = array<i32>} : memref<2x128x128xf32, #tpu.memory_space<vmem>>, vector<16xf32>,
      %parallel_loop3A_486 = arith.constant 1 : i32
      %parallel_loop3A_487 = arith.addi %parallel_loop3A_266, %parallel_loop3A_486 : i32
      %parallel_loop3A_488 = arith.constant 1 : i32
      %parallel_loop3A_489 = arith.index_cast %parallel_loop3A_488 : i32 to index
      %parallel_loop3A_490 = arith.index_cast %parallel_loop3A_487 : i32 to index
      %parallel_loop3A_491 = arith.constant 64 : index
      %parallel_loop3A_492 = tpu.vector_load %arg8[%parallel_loop3A_489, %parallel_loop3A_490, %parallel_loop3A_491] {strides = array<i32>} : memref<2x128x128xf32, #tpu.memory_space<vmem>>, vector<16xf32>,
      %parallel_loop3A_493 = math.log %parallel_loop3A_492 : vector<16xf32>
      %parallel_loop3A_494 = arith.mulf %parallel_loop3A_485, %parallel_loop3A_493 : vector<16xf32>
      %parallel_loop3A_495 = arith.addf %parallel_loop3A_359, %parallel_loop3A_494 : vector<16xf32>
      %parallel_loop3A_496 = arith.constant 1 : i32
      %parallel_loop3A_497 = arith.addi %parallel_loop3A_266, %parallel_loop3A_496 : i32
      %parallel_loop3A_498 = arith.constant 1 : i32
      %parallel_loop3A_499 = arith.index_cast %parallel_loop3A_498 : i32 to index
      %parallel_loop3A_500 = arith.index_cast %parallel_loop3A_497 : i32 to index
      %parallel_loop3A_501 = arith.constant 80 : index
      %parallel_loop3A_502 = tpu.vector_load %arg7[%parallel_loop3A_499, %parallel_loop3A_500, %parallel_loop3A_501] {strides = array<i32>} : memref<2x128x128xf32, #tpu.memory_space<vmem>>, vector<16xf32>,
      %parallel_loop3A_503 = arith.constant 1 : i32
      %parallel_loop3A_504 = arith.addi %parallel_loop3A_266, %parallel_loop3A_503 : i32
      %parallel_loop3A_505 = arith.constant 1 : i32
      %parallel_loop3A_506 = arith.index_cast %parallel_loop3A_505 : i32 to index
      %parallel_loop3A_507 = arith.index_cast %parallel_loop3A_504 : i32 to index
      %parallel_loop3A_508 = arith.constant 80 : index
      %parallel_loop3A_509 = tpu.vector_load %arg8[%parallel_loop3A_506, %parallel_loop3A_507, %parallel_loop3A_508] {strides = array<i32>} : memref<2x128x128xf32, #tpu.memory_space<vmem>>, vector<16xf32>,
      %parallel_loop3A_510 = math.log %parallel_loop3A_509 : vector<16xf32>
      %parallel_loop3A_511 = arith.mulf %parallel_loop3A_502, %parallel_loop3A_510 : vector<16xf32>
      %parallel_loop3A_512 = arith.addf %parallel_loop3A_376, %parallel_loop3A_511 : vector<16xf32>
      %parallel_loop3A_513 = arith.constant 1 : i32
      %parallel_loop3A_514 = arith.addi %parallel_loop3A_266, %parallel_loop3A_513 : i32
      %parallel_loop3A_515 = arith.constant 1 : i32
      %parallel_loop3A_516 = arith.index_cast %parallel_loop3A_515 : i32 to index
      %parallel_loop3A_517 = arith.index_cast %parallel_loop3A_514 : i32 to index
      %parallel_loop3A_518 = arith.constant 96 : index
      %parallel_loop3A_519 = tpu.vector_load %arg7[%parallel_loop3A_516, %parallel_loop3A_517, %parallel_loop3A_518] {strides = array<i32>} : memref<2x128x128xf32, #tpu.memory_space<vmem>>, vector<16xf32>,
      %parallel_loop3A_520 = arith.constant 1 : i32
      %parallel_loop3A_521 = arith.addi %parallel_loop3A_266, %parallel_loop3A_520 : i32
      %parallel_loop3A_522 = arith.constant 1 : i32
      %parallel_loop3A_523 = arith.index_cast %parallel_loop3A_522 : i32 to index
      %parallel_loop3A_524 = arith.index_cast %parallel_loop3A_521 : i32 to index
      %parallel_loop3A_525 = arith.constant 96 : index
      %parallel_loop3A_526 = tpu.vector_load %arg8[%parallel_loop3A_523, %parallel_loop3A_524, %parallel_loop3A_525] {strides = array<i32>} : memref<2x128x128xf32, #tpu.memory_space<vmem>>, vector<16xf32>,
      %parallel_loop3A_527 = math.log %parallel_loop3A_526 : vector<16xf32>
      %parallel_loop3A_528 = arith.mulf %parallel_loop3A_519, %parallel_loop3A_527 : vector<16xf32>
      %parallel_loop3A_529 = arith.addf %parallel_loop3A_393, %parallel_loop3A_528 : vector<16xf32>
      %parallel_loop3A_530 = arith.constant 1 : i32
      %parallel_loop3A_531 = arith.addi %parallel_loop3A_266, %parallel_loop3A_530 : i32
      %parallel_loop3A_532 = arith.constant 1 : i32
      %parallel_loop3A_533 = arith.index_cast %parallel_loop3A_532 : i32 to index
      %parallel_loop3A_534 = arith.index_cast %parallel_loop3A_531 : i32 to index
      %parallel_loop3A_535 = arith.constant 112 : index
      %parallel_loop3A_536 = tpu.vector_load %arg7[%parallel_loop3A_533, %parallel_loop3A_534, %parallel_loop3A_535] {strides = array<i32>} : memref<2x128x128xf32, #tpu.memory_space<vmem>>, vector<16xf32>,
      %parallel_loop3A_537 = arith.constant 1 : i32
      %parallel_loop3A_538 = arith.addi %parallel_loop3A_266, %parallel_loop3A_537 : i32
      %parallel_loop3A_539 = arith.constant 1 : i32
      %parallel_loop3A_540 = arith.index_cast %parallel_loop3A_539 : i32 to index
      %parallel_loop3A_541 = arith.index_cast %parallel_loop3A_538 : i32 to index
      %parallel_loop3A_542 = arith.constant 112 : index
      %parallel_loop3A_543 = tpu.vector_load %arg8[%parallel_loop3A_540, %parallel_loop3A_541, %parallel_loop3A_542] {strides = array<i32>} : memref<2x128x128xf32, #tpu.memory_space<vmem>>, vector<16xf32>,
      %parallel_loop3A_544 = math.log %parallel_loop3A_543 : vector<16xf32>
      %parallel_loop3A_545 = arith.mulf %parallel_loop3A_536, %parallel_loop3A_544 : vector<16xf32>
      %parallel_loop3A_546 = arith.addf %parallel_loop3A_410, %parallel_loop3A_545 : vector<16xf32>
      scf.yield %parallel_loop3A_427, %parallel_loop3A_444, %parallel_loop3A_461, %parallel_loop3A_478, %parallel_loop3A_495, %parallel_loop3A_512, %parallel_loop3A_529, %parallel_loop3A_546 : vector<16xf32>, vector<16xf32>, vector<16xf32>, vector<16xf32>, vector<16xf32>, vector<16xf32>, vector<16xf32>, vector<16xf32>
    } {sc.loop_unroll_factor = 1 : i64, sc.parallel_access}
    %dma_start3A_157 = arith.constant 3 : i32
    %dma_start3A_158 = arith.constant 1 : i32
    %dma_start3A_159 = arith.constant 0 : i32
    %dma_start3A_160 = arith.constant 0 : i32
    %dma_start3A_161 = tpu.memref_slice %arg7[%dma_start3A_158, %dma_start3A_159, %dma_start3A_160] : memref<2x128x128xf32, #tpu.memory_space<vmem>> -> memref<1x128x128xf32, #tpu.memory_space<vmem>>
    %dma_start3A_162 = tpu.memref_squeeze %dma_start3A_161 : memref<1x128x128xf32, #tpu.memory_space<vmem>> -> memref<128x128xf32, #tpu.memory_space<vmem>>
    %dma_start3A_163 = arith.constant 0 : i32
    %dma_start3A_164 = tpu.memref_slice %arg6[%dma_start3A_157, %dma_start3A_163] : memref<4x128xi32, #tpu.memory_space<vmem>> -> memref<1x128xi32, #tpu.memory_space<vmem>>
    %dma_start3A_165 = tpu.memref_squeeze %dma_start3A_164 : memref<1x128xi32, #tpu.memory_space<vmem>> -> memref<128xi32, #tpu.memory_space<vmem>>
    %dma_start3A_166 = arith.constant 0 : i32
    %dma_start3A_167 = arith.constant 0 : i32
    %dma_start3A_168 = tpu.memref_slice %arg4[%dma_start3A_166, %dma_start3A_167] : memref<1000000x128xf32, #tpu.memory_space<hbm>> -> memref<1000000x128xf32, #tpu.memory_space<hbm>>
    tpu.enqueue_indirect_dma source(%dma_start3A_168 : memref<1000000x128xf32, #tpu.memory_space<hbm>>) target(%dma_start3A_162 : memref<128x128xf32, #tpu.memory_space<vmem>>) offsets(%dma_start3A_165 : memref<128xi32, #tpu.memory_space<vmem>>) semaphore(%arg11 : memref<!tpu.dma_semaphore, #tpu.memory_space<semaphore_mem>>)
    %dma_start3A_169 = arith.constant 3 : i32
    %dma_start3A_170 = arith.constant 1 : i32
    %dma_start3A_171 = arith.constant 0 : i32
    %dma_start3A_172 = arith.constant 0 : i32
    %dma_start3A_173 = tpu.memref_slice %arg8[%dma_start3A_170, %dma_start3A_171, %dma_start3A_172] : memref<2x128x128xf32, #tpu.memory_space<vmem>> -> memref<1x128x128xf32, #tpu.memory_space<vmem>>
    %dma_start3A_174 = tpu.memref_squeeze %dma_start3A_173 : memref<1x128x128xf32, #tpu.memory_space<vmem>> -> memref<128x128xf32, #tpu.memory_space<vmem>>
    %dma_start3A_175 = arith.constant 0 : i32
    %dma_start3A_176 = arith.constant 0 : i32
    %dma_start3A_177 = tpu.memref_slice %arg3[%add3A, %dma_start3A_169, %dma_start3A_175, %dma_start3A_176] : memref<32x4x128x128xf32, #tpu.memory_space<hbm>> -> memref<1x1x128x128xf32, #tpu.memory_space<hbm>>
    %dma_start3A_178 = tpu.memref_squeeze %dma_start3A_177 : memref<1x1x128x128xf32, #tpu.memory_space<hbm>> -> memref<128x128xf32, #tpu.memory_space<hbm>>
    %dma_start3A_179 = arith.constant 0 : i32
    %dma_start3A_180 = arith.constant 0 : i32
    %dma_start3A_181 = tpu.memref_slice %arg8[%dma_start3A_170, %dma_start3A_179, %dma_start3A_180] : memref<2x128x128xf32, #tpu.memory_space<vmem>> -> memref<1x128x128xf32, #tpu.memory_space<vmem>>
    %dma_start3A_182 = tpu.memref_squeeze %dma_start3A_181 : memref<1x128x128xf32, #tpu.memory_space<vmem>> -> memref<128x128xf32, #tpu.memory_space<vmem>>
    %dma_start3A_183 = arith.constant 0 : i32
    %dma_start3A_184 = arith.constant 0 : i32
    %dma_start3A_185 = tpu.memref_slice %arg3[%add3A, %dma_start3A_169, %dma_start3A_183, %dma_start3A_184] : memref<32x4x128x128xf32, #tpu.memory_space<hbm>> -> memref<1x1x128x128xf32, #tpu.memory_space<hbm>>
    %dma_start3A_186 = tpu.memref_squeeze %dma_start3A_185 : memref<1x1x128x128xf32, #tpu.memory_space<hbm>> -> memref<128x128xf32, #tpu.memory_space<hbm>>
    tpu.enqueue_dma source(%dma_start3A_186 : memref<128x128xf32, #tpu.memory_space<hbm>>) target(%dma_start3A_182 : memref<128x128xf32, #tpu.memory_space<vmem>>) target_semaphore(%arg13 : memref<!tpu.dma_semaphore, #tpu.memory_space<semaphore_mem>>)
    %dma_wait3A_187 = arith.constant 2 : i32
    %dma_wait3A_188 = arith.constant 0 : i32
    %dma_wait3A_189 = arith.constant 0 : i32
    %dma_wait3A_190 = arith.constant 0 : i32
    %dma_wait3A_191 = tpu.memref_slice %arg7[%dma_wait3A_188, %dma_wait3A_189, %dma_wait3A_190] : memref<2x128x128xf32, #tpu.memory_space<vmem>> -> memref<1x128x128xf32, #tpu.memory_space<vmem>>
    %dma_wait3A_192 = tpu.memref_squeeze %dma_wait3A_191 : memref<1x128x128xf32, #tpu.memory_space<vmem>> -> memref<128x128xf32, #tpu.memory_space<vmem>>
    %dma_wait3A_193 = arith.constant 0 : i32
    %dma_wait3A_194 = tpu.memref_slice %arg6[%dma_wait3A_187, %dma_wait3A_193] : memref<4x128xi32, #tpu.memory_space<vmem>> -> memref<1x128xi32, #tpu.memory_space<vmem>>
    %dma_wait3A_195 = tpu.memref_squeeze %dma_wait3A_194 : memref<1x128xi32, #tpu.memory_space<vmem>> -> memref<128xi32, #tpu.memory_space<vmem>>
    %dma_wait3A_196 = arith.constant 0 : i32
    %dma_wait3A_197 = arith.constant 0 : i32
    %dma_wait3A_198 = tpu.memref_slice %arg4[%dma_wait3A_196, %dma_wait3A_197] : memref<1000000x128xf32, #tpu.memory_space<hbm>> -> memref<1000000x128xf32, #tpu.memory_space<hbm>>
    tpu.wait_indirect_dma semaphore(%arg10 : memref<!tpu.dma_semaphore, #tpu.memory_space<semaphore_mem>>) src(%dma_wait3A_198 : memref<1000000x128xf32, #tpu.memory_space<hbm>>) dst(%dma_wait3A_192 : memref<128x128xf32, #tpu.memory_space<vmem>>)
    %dma_wait3A_199 = arith.constant 2 : i32
    %dma_wait3A_200 = arith.constant 0 : i32
    %dma_wait3A_201 = arith.constant 0 : i32
    %dma_wait3A_202 = arith.constant 0 : i32
    %dma_wait3A_203 = tpu.memref_slice %arg8[%dma_wait3A_200, %dma_wait3A_201, %dma_wait3A_202] : memref<2x128x128xf32, #tpu.memory_space<vmem>> -> memref<1x128x128xf32, #tpu.memory_space<vmem>>
    %dma_wait3A_204 = tpu.memref_squeeze %dma_wait3A_203 : memref<1x128x128xf32, #tpu.memory_space<vmem>> -> memref<128x128xf32, #tpu.memory_space<vmem>>
    %dma_wait3A_205 = arith.constant 0 : i32
    %dma_wait3A_206 = arith.constant 0 : i32
    %dma_wait3A_207 = tpu.memref_slice %arg3[%add3A, %dma_wait3A_199, %dma_wait3A_205, %dma_wait3A_206] : memref<32x4x128x128xf32, #tpu.memory_space<hbm>> -> memref<1x1x128x128xf32, #tpu.memory_space<hbm>>
    %dma_wait3A_208 = tpu.memref_squeeze %dma_wait3A_207 : memref<1x1x128x128xf32, #tpu.memory_space<hbm>> -> memref<128x128xf32, #tpu.memory_space<hbm>>
    %dma_wait3A_209 = arith.constant 0 : i32
    %dma_wait3A_210 = arith.constant 0 : i32
    %dma_wait3A_211 = tpu.memref_slice %arg8[%dma_wait3A_200, %dma_wait3A_209, %dma_wait3A_210] : memref<2x128x128xf32, #tpu.memory_space<vmem>> -> memref<1x128x128xf32, #tpu.memory_space<vmem>>
    %dma_wait3A_212 = tpu.memref_squeeze %dma_wait3A_211 : memref<1x128x128xf32, #tpu.memory_space<vmem>> -> memref<128x128xf32, #tpu.memory_space<vmem>>
    %dma_wait3A_213 = arith.constant 0 : i32
    %dma_wait3A_214 = arith.constant 0 : i32
    %dma_wait3A_215 = tpu.memref_slice %arg3[%add3A, %dma_wait3A_199, %dma_wait3A_213, %dma_wait3A_214] : memref<32x4x128x128xf32, #tpu.memory_space<hbm>> -> memref<1x1x128x128xf32, #tpu.memory_space<hbm>>
    %dma_wait3A_216 = tpu.memref_squeeze %dma_wait3A_215 : memref<1x1x128x128xf32, #tpu.memory_space<hbm>> -> memref<128x128xf32, #tpu.memory_space<hbm>>
    tpu.wait_dma2 semaphore(%arg12 : memref<!tpu.dma_semaphore, #tpu.memory_space<semaphore_mem>>) src(%dma_wait3A_216 : memref<128x128xf32, #tpu.memory_space<hbm>>) dst(%dma_wait3A_212 : memref<128x128xf32, #tpu.memory_space<vmem>>)
    %parallel_loop3A_217 = arith.constant 0 : i32
    %parallel_loop3A_218 = arith.constant 128 : i32
    %parallel_loop3A_219 = arith.constant 2 : i32
    %parallel_loop3A_220:8 = scf.for %parallel_loop3A_266 = %parallel_loop3A_217 to %parallel_loop3A_218 step %parallel_loop3A_219 iter_args(%parallel_loop3A_267 = %parallel_loop3A_156#0, %parallel_loop3A_268 = %parallel_loop3A_156#1, %parallel_loop3A_269 = %parallel_loop3A_156#2, %parallel_loop3A_270 = %parallel_loop3A_156#3, %parallel_loop3A_271 = %parallel_loop3A_156#4, %parallel_loop3A_272 = %parallel_loop3A_156#5, %parallel_loop3A_273 = %parallel_loop3A_156#6, %parallel_loop3A_274 = %parallel_loop3A_156#7) -> (vector<16xf32>, vector<16xf32>, vector<16xf32>, vector<16xf32>, vector<16xf32>, vector<16xf32>, vector<16xf32>, vector<16xf32>)  : i32 {
      %parallel_loop3A_275 = arith.constant 0 : i32
      %parallel_loop3A_276 = arith.addi %parallel_loop3A_266, %parallel_loop3A_275 : i32
      %parallel_loop3A_277 = arith.constant 0 : i32
      %parallel_loop3A_278 = arith.index_cast %parallel_loop3A_277 : i32 to index
      %parallel_loop3A_279 = arith.index_cast %parallel_loop3A_276 : i32 to index
      %parallel_loop3A_280 = arith.constant 0 : index
      %parallel_loop3A_281 = tpu.vector_load %arg7[%parallel_loop3A_278, %parallel_loop3A_279, %parallel_loop3A_280] {strides = array<i32>} : memref<2x128x128xf32, #tpu.memory_space<vmem>>, vector<16xf32>,
      %parallel_loop3A_282 = arith.constant 0 : i32
      %parallel_loop3A_283 = arith.addi %parallel_loop3A_266, %parallel_loop3A_282 : i32
      %parallel_loop3A_284 = arith.constant 0 : i32
      %parallel_loop3A_285 = arith.index_cast %parallel_loop3A_284 : i32 to index
      %parallel_loop3A_286 = arith.index_cast %parallel_loop3A_283 : i32 to index
      %parallel_loop3A_287 = arith.constant 0 : index
      %parallel_loop3A_288 = tpu.vector_load %arg8[%parallel_loop3A_285, %parallel_loop3A_286, %parallel_loop3A_287] {strides = array<i32>} : memref<2x128x128xf32, #tpu.memory_space<vmem>>, vector<16xf32>,
      %parallel_loop3A_289 = math.log %parallel_loop3A_288 : vector<16xf32>
      %parallel_loop3A_290 = arith.mulf %parallel_loop3A_281, %parallel_loop3A_289 : vector<16xf32>
      %parallel_loop3A_291 = arith.addf %parallel_loop3A_267, %parallel_loop3A_290 : vector<16xf32>
      %parallel_loop3A_292 = arith.constant 0 : i32
      %parallel_loop3A_293 = arith.addi %parallel_loop3A_266, %parallel_loop3A_292 : i32
      %parallel_loop3A_294 = arith.constant 0 : i32
      %parallel_loop3A_295 = arith.index_cast %parallel_loop3A_294 : i32 to index
      %parallel_loop3A_296 = arith.index_cast %parallel_loop3A_293 : i32 to index
      %parallel_loop3A_297 = arith.constant 16 : index
      %parallel_loop3A_298 = tpu.vector_load %arg7[%parallel_loop3A_295, %parallel_loop3A_296, %parallel_loop3A_297] {strides = array<i32>} : memref<2x128x128xf32, #tpu.memory_space<vmem>>, vector<16xf32>,
      %parallel_loop3A_299 = arith.constant 0 : i32
      %parallel_loop3A_300 = arith.addi %parallel_loop3A_266, %parallel_loop3A_299 : i32
      %parallel_loop3A_301 = arith.constant 0 : i32
      %parallel_loop3A_302 = arith.index_cast %parallel_loop3A_301 : i32 to index
      %parallel_loop3A_303 = arith.index_cast %parallel_loop3A_300 : i32 to index
      %parallel_loop3A_304 = arith.constant 16 : index
      %parallel_loop3A_305 = tpu.vector_load %arg8[%parallel_loop3A_302, %parallel_loop3A_303, %parallel_loop3A_304] {strides = array<i32>} : memref<2x128x128xf32, #tpu.memory_space<vmem>>, vector<16xf32>,
      %parallel_loop3A_306 = math.log %parallel_loop3A_305 : vector<16xf32>
      %parallel_loop3A_307 = arith.mulf %parallel_loop3A_298, %parallel_loop3A_306 : vector<16xf32>
      %parallel_loop3A_308 = arith.addf %parallel_loop3A_268, %parallel_loop3A_307 : vector<16xf32>
      %parallel_loop3A_309 = arith.constant 0 : i32
      %parallel_loop3A_310 = arith.addi %parallel_loop3A_266, %parallel_loop3A_309 : i32
      %parallel_loop3A_311 = arith.constant 0 : i32
      %parallel_loop3A_312 = arith.index_cast %parallel_loop3A_311 : i32 to index
      %parallel_loop3A_313 = arith.index_cast %parallel_loop3A_310 : i32 to index
      %parallel_loop3A_314 = arith.constant 32 : index
      %parallel_loop3A_315 = tpu.vector_load %arg7[%parallel_loop3A_312, %parallel_loop3A_313, %parallel_loop3A_314] {strides = array<i32>} : memref<2x128x128xf32, #tpu.memory_space<vmem>>, vector<16xf32>,
      %parallel_loop3A_316 = arith.constant 0 : i32
      %parallel_loop3A_317 = arith.addi %parallel_loop3A_266, %parallel_loop3A_316 : i32
      %parallel_loop3A_318 = arith.constant 0 : i32
      %parallel_loop3A_319 = arith.index_cast %parallel_loop3A_318 : i32 to index
      %parallel_loop3A_320 = arith.index_cast %parallel_loop3A_317 : i32 to index
      %parallel_loop3A_321 = arith.constant 32 : index
      %parallel_loop3A_322 = tpu.vector_load %arg8[%parallel_loop3A_319, %parallel_loop3A_320, %parallel_loop3A_321] {strides = array<i32>} : memref<2x128x128xf32, #tpu.memory_space<vmem>>, vector<16xf32>,
      %parallel_loop3A_323 = math.log %parallel_loop3A_322 : vector<16xf32>
      %parallel_loop3A_324 = arith.mulf %parallel_loop3A_315, %parallel_loop3A_323 : vector<16xf32>
      %parallel_loop3A_325 = arith.addf %parallel_loop3A_269, %parallel_loop3A_324 : vector<16xf32>
      %parallel_loop3A_326 = arith.constant 0 : i32
      %parallel_loop3A_327 = arith.addi %parallel_loop3A_266, %parallel_loop3A_326 : i32
      %parallel_loop3A_328 = arith.constant 0 : i32
      %parallel_loop3A_329 = arith.index_cast %parallel_loop3A_328 : i32 to index
      %parallel_loop3A_330 = arith.index_cast %parallel_loop3A_327 : i32 to index
      %parallel_loop3A_331 = arith.constant 48 : index
      %parallel_loop3A_332 = tpu.vector_load %arg7[%parallel_loop3A_329, %parallel_loop3A_330, %parallel_loop3A_331] {strides = array<i32>} : memref<2x128x128xf32, #tpu.memory_space<vmem>>, vector<16xf32>,
      %parallel_loop3A_333 = arith.constant 0 : i32
      %parallel_loop3A_334 = arith.addi %parallel_loop3A_266, %parallel_loop3A_333 : i32
      %parallel_loop3A_335 = arith.constant 0 : i32
      %parallel_loop3A_336 = arith.index_cast %parallel_loop3A_335 : i32 to index
      %parallel_loop3A_337 = arith.index_cast %parallel_loop3A_334 : i32 to index
      %parallel_loop3A_338 = arith.constant 48 : index
      %parallel_loop3A_339 = tpu.vector_load %arg8[%parallel_loop3A_336, %parallel_loop3A_337, %parallel_loop3A_338] {strides = array<i32>} : memref<2x128x128xf32, #tpu.memory_space<vmem>>, vector<16xf32>,
      %parallel_loop3A_340 = math.log %parallel_loop3A_339 : vector<16xf32>
      %parallel_loop3A_341 = arith.mulf %parallel_loop3A_332, %parallel_loop3A_340 : vector<16xf32>
      %parallel_loop3A_342 = arith.addf %parallel_loop3A_270, %parallel_loop3A_341 : vector<16xf32>
      %parallel_loop3A_343 = arith.constant 0 : i32
      %parallel_loop3A_344 = arith.addi %parallel_loop3A_266, %parallel_loop3A_343 : i32
      %parallel_loop3A_345 = arith.constant 0 : i32
      %parallel_loop3A_346 = arith.index_cast %parallel_loop3A_345 : i32 to index
      %parallel_loop3A_347 = arith.index_cast %parallel_loop3A_344 : i32 to index
      %parallel_loop3A_348 = arith.constant 64 : index
      %parallel_loop3A_349 = tpu.vector_load %arg7[%parallel_loop3A_346, %parallel_loop3A_347, %parallel_loop3A_348] {strides = array<i32>} : memref<2x128x128xf32, #tpu.memory_space<vmem>>, vector<16xf32>,
      %parallel_loop3A_350 = arith.constant 0 : i32
      %parallel_loop3A_351 = arith.addi %parallel_loop3A_266, %parallel_loop3A_350 : i32
      %parallel_loop3A_352 = arith.constant 0 : i32
      %parallel_loop3A_353 = arith.index_cast %parallel_loop3A_352 : i32 to index
      %parallel_loop3A_354 = arith.index_cast %parallel_loop3A_351 : i32 to index
      %parallel_loop3A_355 = arith.constant 64 : index
      %parallel_loop3A_356 = tpu.vector_load %arg8[%parallel_loop3A_353, %parallel_loop3A_354, %parallel_loop3A_355] {strides = array<i32>} : memref<2x128x128xf32, #tpu.memory_space<vmem>>, vector<16xf32>,
      %parallel_loop3A_357 = math.log %parallel_loop3A_356 : vector<16xf32>
      %parallel_loop3A_358 = arith.mulf %parallel_loop3A_349, %parallel_loop3A_357 : vector<16xf32>
      %parallel_loop3A_359 = arith.addf %parallel_loop3A_271, %parallel_loop3A_358 : vector<16xf32>
      %parallel_loop3A_360 = arith.constant 0 : i32
      %parallel_loop3A_361 = arith.addi %parallel_loop3A_266, %parallel_loop3A_360 : i32
      %parallel_loop3A_362 = arith.constant 0 : i32
      %parallel_loop3A_363 = arith.index_cast %parallel_loop3A_362 : i32 to index
      %parallel_loop3A_364 = arith.index_cast %parallel_loop3A_361 : i32 to index
      %parallel_loop3A_365 = arith.constant 80 : index
      %parallel_loop3A_366 = tpu.vector_load %arg7[%parallel_loop3A_363, %parallel_loop3A_364, %parallel_loop3A_365] {strides = array<i32>} : memref<2x128x128xf32, #tpu.memory_space<vmem>>, vector<16xf32>,
      %parallel_loop3A_367 = arith.constant 0 : i32
      %parallel_loop3A_368 = arith.addi %parallel_loop3A_266, %parallel_loop3A_367 : i32
      %parallel_loop3A_369 = arith.constant 0 : i32
      %parallel_loop3A_370 = arith.index_cast %parallel_loop3A_369 : i32 to index
      %parallel_loop3A_371 = arith.index_cast %parallel_loop3A_368 : i32 to index
      %parallel_loop3A_372 = arith.constant 80 : index
      %parallel_loop3A_373 = tpu.vector_load %arg8[%parallel_loop3A_370, %parallel_loop3A_371, %parallel_loop3A_372] {strides = array<i32>} : memref<2x128x128xf32, #tpu.memory_space<vmem>>, vector<16xf32>,
      %parallel_loop3A_374 = math.log %parallel_loop3A_373 : vector<16xf32>
      %parallel_loop3A_375 = arith.mulf %parallel_loop3A_366, %parallel_loop3A_374 : vector<16xf32>
      %parallel_loop3A_376 = arith.addf %parallel_loop3A_272, %parallel_loop3A_375 : vector<16xf32>
      %parallel_loop3A_377 = arith.constant 0 : i32
      %parallel_loop3A_378 = arith.addi %parallel_loop3A_266, %parallel_loop3A_377 : i32
      %parallel_loop3A_379 = arith.constant 0 : i32
      %parallel_loop3A_380 = arith.index_cast %parallel_loop3A_379 : i32 to index
      %parallel_loop3A_381 = arith.index_cast %parallel_loop3A_378 : i32 to index
      %parallel_loop3A_382 = arith.constant 96 : index
      %parallel_loop3A_383 = tpu.vector_load %arg7[%parallel_loop3A_380, %parallel_loop3A_381, %parallel_loop3A_382] {strides = array<i32>} : memref<2x128x128xf32, #tpu.memory_space<vmem>>, vector<16xf32>,
      %parallel_loop3A_384 = arith.constant 0 : i32
      %parallel_loop3A_385 = arith.addi %parallel_loop3A_266, %parallel_loop3A_384 : i32
      %parallel_loop3A_386 = arith.constant 0 : i32
      %parallel_loop3A_387 = arith.index_cast %parallel_loop3A_386 : i32 to index
      %parallel_loop3A_388 = arith.index_cast %parallel_loop3A_385 : i32 to index
      %parallel_loop3A_389 = arith.constant 96 : index
      %parallel_loop3A_390 = tpu.vector_load %arg8[%parallel_loop3A_387, %parallel_loop3A_388, %parallel_loop3A_389] {strides = array<i32>} : memref<2x128x128xf32, #tpu.memory_space<vmem>>, vector<16xf32>,
      %parallel_loop3A_391 = math.log %parallel_loop3A_390 : vector<16xf32>
      %parallel_loop3A_392 = arith.mulf %parallel_loop3A_383, %parallel_loop3A_391 : vector<16xf32>
      %parallel_loop3A_393 = arith.addf %parallel_loop3A_273, %parallel_loop3A_392 : vector<16xf32>
      %parallel_loop3A_394 = arith.constant 0 : i32
      %parallel_loop3A_395 = arith.addi %parallel_loop3A_266, %parallel_loop3A_394 : i32
      %parallel_loop3A_396 = arith.constant 0 : i32
      %parallel_loop3A_397 = arith.index_cast %parallel_loop3A_396 : i32 to index
      %parallel_loop3A_398 = arith.index_cast %parallel_loop3A_395 : i32 to index
      %parallel_loop3A_399 = arith.constant 112 : index
      %parallel_loop3A_400 = tpu.vector_load %arg7[%parallel_loop3A_397, %parallel_loop3A_398, %parallel_loop3A_399] {strides = array<i32>} : memref<2x128x128xf32, #tpu.memory_space<vmem>>, vector<16xf32>,
      %parallel_loop3A_401 = arith.constant 0 : i32
      %parallel_loop3A_402 = arith.addi %parallel_loop3A_266, %parallel_loop3A_401 : i32
      %parallel_loop3A_403 = arith.constant 0 : i32
      %parallel_loop3A_404 = arith.index_cast %parallel_loop3A_403 : i32 to index
      %parallel_loop3A_405 = arith.index_cast %parallel_loop3A_402 : i32 to index
      %parallel_loop3A_406 = arith.constant 112 : index
      %parallel_loop3A_407 = tpu.vector_load %arg8[%parallel_loop3A_404, %parallel_loop3A_405, %parallel_loop3A_406] {strides = array<i32>} : memref<2x128x128xf32, #tpu.memory_space<vmem>>, vector<16xf32>,
      %parallel_loop3A_408 = math.log %parallel_loop3A_407 : vector<16xf32>
      %parallel_loop3A_409 = arith.mulf %parallel_loop3A_400, %parallel_loop3A_408 : vector<16xf32>
      %parallel_loop3A_410 = arith.addf %parallel_loop3A_274, %parallel_loop3A_409 : vector<16xf32>
      %parallel_loop3A_411 = arith.constant 1 : i32
      %parallel_loop3A_412 = arith.addi %parallel_loop3A_266, %parallel_loop3A_411 : i32
      %parallel_loop3A_413 = arith.constant 0 : i32
      %parallel_loop3A_414 = arith.index_cast %parallel_loop3A_413 : i32 to index
      %parallel_loop3A_415 = arith.index_cast %parallel_loop3A_412 : i32 to index
      %parallel_loop3A_416 = arith.constant 0 : index
      %parallel_loop3A_417 = tpu.vector_load %arg7[%parallel_loop3A_414, %parallel_loop3A_415, %parallel_loop3A_416] {strides = array<i32>} : memref<2x128x128xf32, #tpu.memory_space<vmem>>, vector<16xf32>,
      %parallel_loop3A_418 = arith.constant 1 : i32
      %parallel_loop3A_419 = arith.addi %parallel_loop3A_266, %parallel_loop3A_418 : i32
      %parallel_loop3A_420 = arith.constant 0 : i32
      %parallel_loop3A_421 = arith.index_cast %parallel_loop3A_420 : i32 to index
      %parallel_loop3A_422 = arith.index_cast %parallel_loop3A_419 : i32 to index
      %parallel_loop3A_423 = arith.constant 0 : index
      %parallel_loop3A_424 = tpu.vector_load %arg8[%parallel_loop3A_421, %parallel_loop3A_422, %parallel_loop3A_423] {strides = array<i32>} : memref<2x128x128xf32, #tpu.memory_space<vmem>>, vector<16xf32>,
      %parallel_loop3A_425 = math.log %parallel_loop3A_424 : vector<16xf32>
      %parallel_loop3A_426 = arith.mulf %parallel_loop3A_417, %parallel_loop3A_425 : vector<16xf32>
      %parallel_loop3A_427 = arith.addf %parallel_loop3A_291, %parallel_loop3A_426 : vector<16xf32>
      %parallel_loop3A_428 = arith.constant 1 : i32
      %parallel_loop3A_429 = arith.addi %parallel_loop3A_266, %parallel_loop3A_428 : i32
      %parallel_loop3A_430 = arith.constant 0 : i32
      %parallel_loop3A_431 = arith.index_cast %parallel_loop3A_430 : i32 to index
      %parallel_loop3A_432 = arith.index_cast %parallel_loop3A_429 : i32 to index
      %parallel_loop3A_433 = arith.constant 16 : index
      %parallel_loop3A_434 = tpu.vector_load %arg7[%parallel_loop3A_431, %parallel_loop3A_432, %parallel_loop3A_433] {strides = array<i32>} : memref<2x128x128xf32, #tpu.memory_space<vmem>>, vector<16xf32>,
      %parallel_loop3A_435 = arith.constant 1 : i32
      %parallel_loop3A_436 = arith.addi %parallel_loop3A_266, %parallel_loop3A_435 : i32
      %parallel_loop3A_437 = arith.constant 0 : i32
      %parallel_loop3A_438 = arith.index_cast %parallel_loop3A_437 : i32 to index
      %parallel_loop3A_439 = arith.index_cast %parallel_loop3A_436 : i32 to index
      %parallel_loop3A_440 = arith.constant 16 : index
      %parallel_loop3A_441 = tpu.vector_load %arg8[%parallel_loop3A_438, %parallel_loop3A_439, %parallel_loop3A_440] {strides = array<i32>} : memref<2x128x128xf32, #tpu.memory_space<vmem>>, vector<16xf32>,
      %parallel_loop3A_442 = math.log %parallel_loop3A_441 : vector<16xf32>
      %parallel_loop3A_443 = arith.mulf %parallel_loop3A_434, %parallel_loop3A_442 : vector<16xf32>
      %parallel_loop3A_444 = arith.addf %parallel_loop3A_308, %parallel_loop3A_443 : vector<16xf32>
      %parallel_loop3A_445 = arith.constant 1 : i32
      %parallel_loop3A_446 = arith.addi %parallel_loop3A_266, %parallel_loop3A_445 : i32
      %parallel_loop3A_447 = arith.constant 0 : i32
      %parallel_loop3A_448 = arith.index_cast %parallel_loop3A_447 : i32 to index
      %parallel_loop3A_449 = arith.index_cast %parallel_loop3A_446 : i32 to index
      %parallel_loop3A_450 = arith.constant 32 : index
      %parallel_loop3A_451 = tpu.vector_load %arg7[%parallel_loop3A_448, %parallel_loop3A_449, %parallel_loop3A_450] {strides = array<i32>} : memref<2x128x128xf32, #tpu.memory_space<vmem>>, vector<16xf32>,
      %parallel_loop3A_452 = arith.constant 1 : i32
      %parallel_loop3A_453 = arith.addi %parallel_loop3A_266, %parallel_loop3A_452 : i32
      %parallel_loop3A_454 = arith.constant 0 : i32
      %parallel_loop3A_455 = arith.index_cast %parallel_loop3A_454 : i32 to index
      %parallel_loop3A_456 = arith.index_cast %parallel_loop3A_453 : i32 to index
      %parallel_loop3A_457 = arith.constant 32 : index
      %parallel_loop3A_458 = tpu.vector_load %arg8[%parallel_loop3A_455, %parallel_loop3A_456, %parallel_loop3A_457] {strides = array<i32>} : memref<2x128x128xf32, #tpu.memory_space<vmem>>, vector<16xf32>,
      %parallel_loop3A_459 = math.log %parallel_loop3A_458 : vector<16xf32>
      %parallel_loop3A_460 = arith.mulf %parallel_loop3A_451, %parallel_loop3A_459 : vector<16xf32>
      %parallel_loop3A_461 = arith.addf %parallel_loop3A_325, %parallel_loop3A_460 : vector<16xf32>
      %parallel_loop3A_462 = arith.constant 1 : i32
      %parallel_loop3A_463 = arith.addi %parallel_loop3A_266, %parallel_loop3A_462 : i32
      %parallel_loop3A_464 = arith.constant 0 : i32
      %parallel_loop3A_465 = arith.index_cast %parallel_loop3A_464 : i32 to index
      %parallel_loop3A_466 = arith.index_cast %parallel_loop3A_463 : i32 to index
      %parallel_loop3A_467 = arith.constant 48 : index
      %parallel_loop3A_468 = tpu.vector_load %arg7[%parallel_loop3A_465, %parallel_loop3A_466, %parallel_loop3A_467] {strides = array<i32>} : memref<2x128x128xf32, #tpu.memory_space<vmem>>, vector<16xf32>,
      %parallel_loop3A_469 = arith.constant 1 : i32
      %parallel_loop3A_470 = arith.addi %parallel_loop3A_266, %parallel_loop3A_469 : i32
      %parallel_loop3A_471 = arith.constant 0 : i32
      %parallel_loop3A_472 = arith.index_cast %parallel_loop3A_471 : i32 to index
      %parallel_loop3A_473 = arith.index_cast %parallel_loop3A_470 : i32 to index
      %parallel_loop3A_474 = arith.constant 48 : index
      %parallel_loop3A_475 = tpu.vector_load %arg8[%parallel_loop3A_472, %parallel_loop3A_473, %parallel_loop3A_474] {strides = array<i32>} : memref<2x128x128xf32, #tpu.memory_space<vmem>>, vector<16xf32>,
      %parallel_loop3A_476 = math.log %parallel_loop3A_475 : vector<16xf32>
      %parallel_loop3A_477 = arith.mulf %parallel_loop3A_468, %parallel_loop3A_476 : vector<16xf32>
      %parallel_loop3A_478 = arith.addf %parallel_loop3A_342, %parallel_loop3A_477 : vector<16xf32>
      %parallel_loop3A_479 = arith.constant 1 : i32
      %parallel_loop3A_480 = arith.addi %parallel_loop3A_266, %parallel_loop3A_479 : i32
      %parallel_loop3A_481 = arith.constant 0 : i32
      %parallel_loop3A_482 = arith.index_cast %parallel_loop3A_481 : i32 to index
      %parallel_loop3A_483 = arith.index_cast %parallel_loop3A_480 : i32 to index
      %parallel_loop3A_484 = arith.constant 64 : index
      %parallel_loop3A_485 = tpu.vector_load %arg7[%parallel_loop3A_482, %parallel_loop3A_483, %parallel_loop3A_484] {strides = array<i32>} : memref<2x128x128xf32, #tpu.memory_space<vmem>>, vector<16xf32>,
      %parallel_loop3A_486 = arith.constant 1 : i32
      %parallel_loop3A_487 = arith.addi %parallel_loop3A_266, %parallel_loop3A_486 : i32
      %parallel_loop3A_488 = arith.constant 0 : i32
      %parallel_loop3A_489 = arith.index_cast %parallel_loop3A_488 : i32 to index
      %parallel_loop3A_490 = arith.index_cast %parallel_loop3A_487 : i32 to index
      %parallel_loop3A_491 = arith.constant 64 : index
      %parallel_loop3A_492 = tpu.vector_load %arg8[%parallel_loop3A_489, %parallel_loop3A_490, %parallel_loop3A_491] {strides = array<i32>} : memref<2x128x128xf32, #tpu.memory_space<vmem>>, vector<16xf32>,
      %parallel_loop3A_493 = math.log %parallel_loop3A_492 : vector<16xf32>
      %parallel_loop3A_494 = arith.mulf %parallel_loop3A_485, %parallel_loop3A_493 : vector<16xf32>
      %parallel_loop3A_495 = arith.addf %parallel_loop3A_359, %parallel_loop3A_494 : vector<16xf32>
      %parallel_loop3A_496 = arith.constant 1 : i32
      %parallel_loop3A_497 = arith.addi %parallel_loop3A_266, %parallel_loop3A_496 : i32
      %parallel_loop3A_498 = arith.constant 0 : i32
      %parallel_loop3A_499 = arith.index_cast %parallel_loop3A_498 : i32 to index
      %parallel_loop3A_500 = arith.index_cast %parallel_loop3A_497 : i32 to index
      %parallel_loop3A_501 = arith.constant 80 : index
      %parallel_loop3A_502 = tpu.vector_load %arg7[%parallel_loop3A_499, %parallel_loop3A_500, %parallel_loop3A_501] {strides = array<i32>} : memref<2x128x128xf32, #tpu.memory_space<vmem>>, vector<16xf32>,
      %parallel_loop3A_503 = arith.constant 1 : i32
      %parallel_loop3A_504 = arith.addi %parallel_loop3A_266, %parallel_loop3A_503 : i32
      %parallel_loop3A_505 = arith.constant 0 : i32
      %parallel_loop3A_506 = arith.index_cast %parallel_loop3A_505 : i32 to index
      %parallel_loop3A_507 = arith.index_cast %parallel_loop3A_504 : i32 to index
      %parallel_loop3A_508 = arith.constant 80 : index
      %parallel_loop3A_509 = tpu.vector_load %arg8[%parallel_loop3A_506, %parallel_loop3A_507, %parallel_loop3A_508] {strides = array<i32>} : memref<2x128x128xf32, #tpu.memory_space<vmem>>, vector<16xf32>,
      %parallel_loop3A_510 = math.log %parallel_loop3A_509 : vector<16xf32>
      %parallel_loop3A_511 = arith.mulf %parallel_loop3A_502, %parallel_loop3A_510 : vector<16xf32>
      %parallel_loop3A_512 = arith.addf %parallel_loop3A_376, %parallel_loop3A_511 : vector<16xf32>
      %parallel_loop3A_513 = arith.constant 1 : i32
      %parallel_loop3A_514 = arith.addi %parallel_loop3A_266, %parallel_loop3A_513 : i32
      %parallel_loop3A_515 = arith.constant 0 : i32
      %parallel_loop3A_516 = arith.index_cast %parallel_loop3A_515 : i32 to index
      %parallel_loop3A_517 = arith.index_cast %parallel_loop3A_514 : i32 to index
      %parallel_loop3A_518 = arith.constant 96 : index
      %parallel_loop3A_519 = tpu.vector_load %arg7[%parallel_loop3A_516, %parallel_loop3A_517, %parallel_loop3A_518] {strides = array<i32>} : memref<2x128x128xf32, #tpu.memory_space<vmem>>, vector<16xf32>,
      %parallel_loop3A_520 = arith.constant 1 : i32
      %parallel_loop3A_521 = arith.addi %parallel_loop3A_266, %parallel_loop3A_520 : i32
      %parallel_loop3A_522 = arith.constant 0 : i32
      %parallel_loop3A_523 = arith.index_cast %parallel_loop3A_522 : i32 to index
      %parallel_loop3A_524 = arith.index_cast %parallel_loop3A_521 : i32 to index
      %parallel_loop3A_525 = arith.constant 96 : index
      %parallel_loop3A_526 = tpu.vector_load %arg8[%parallel_loop3A_523, %parallel_loop3A_524, %parallel_loop3A_525] {strides = array<i32>} : memref<2x128x128xf32, #tpu.memory_space<vmem>>, vector<16xf32>,
      %parallel_loop3A_527 = math.log %parallel_loop3A_526 : vector<16xf32>
      %parallel_loop3A_528 = arith.mulf %parallel_loop3A_519, %parallel_loop3A_527 : vector<16xf32>
      %parallel_loop3A_529 = arith.addf %parallel_loop3A_393, %parallel_loop3A_528 : vector<16xf32>
      %parallel_loop3A_530 = arith.constant 1 : i32
      %parallel_loop3A_531 = arith.addi %parallel_loop3A_266, %parallel_loop3A_530 : i32
      %parallel_loop3A_532 = arith.constant 0 : i32
      %parallel_loop3A_533 = arith.index_cast %parallel_loop3A_532 : i32 to index
      %parallel_loop3A_534 = arith.index_cast %parallel_loop3A_531 : i32 to index
      %parallel_loop3A_535 = arith.constant 112 : index
      %parallel_loop3A_536 = tpu.vector_load %arg7[%parallel_loop3A_533, %parallel_loop3A_534, %parallel_loop3A_535] {strides = array<i32>} : memref<2x128x128xf32, #tpu.memory_space<vmem>>, vector<16xf32>,
      %parallel_loop3A_537 = arith.constant 1 : i32
      %parallel_loop3A_538 = arith.addi %parallel_loop3A_266, %parallel_loop3A_537 : i32
      %parallel_loop3A_539 = arith.constant 0 : i32
      %parallel_loop3A_540 = arith.index_cast %parallel_loop3A_539 : i32 to index
      %parallel_loop3A_541 = arith.index_cast %parallel_loop3A_538 : i32 to index
      %parallel_loop3A_542 = arith.constant 112 : index
      %parallel_loop3A_543 = tpu.vector_load %arg8[%parallel_loop3A_540, %parallel_loop3A_541, %parallel_loop3A_542] {strides = array<i32>} : memref<2x128x128xf32, #tpu.memory_space<vmem>>, vector<16xf32>,
      %parallel_loop3A_544 = math.log %parallel_loop3A_543 : vector<16xf32>
      %parallel_loop3A_545 = arith.mulf %parallel_loop3A_536, %parallel_loop3A_544 : vector<16xf32>
      %parallel_loop3A_546 = arith.addf %parallel_loop3A_410, %parallel_loop3A_545 : vector<16xf32>
      scf.yield %parallel_loop3A_427, %parallel_loop3A_444, %parallel_loop3A_461, %parallel_loop3A_478, %parallel_loop3A_495, %parallel_loop3A_512, %parallel_loop3A_529, %parallel_loop3A_546 : vector<16xf32>, vector<16xf32>, vector<16xf32>, vector<16xf32>, vector<16xf32>, vector<16xf32>, vector<16xf32>, vector<16xf32>
    } {sc.loop_unroll_factor = 1 : i64, sc.parallel_access}
    %dma_wait3A_221 = arith.constant 3 : i32
    %dma_wait3A_222 = arith.constant 1 : i32
    %dma_wait3A_223 = arith.constant 0 : i32
    %dma_wait3A_224 = arith.constant 0 : i32
    %dma_wait3A_225 = tpu.memref_slice %arg7[%dma_wait3A_222, %dma_wait3A_223, %dma_wait3A_224] : memref<2x128x128xf32, #tpu.memory_space<vmem>> -> memref<1x128x128xf32, #tpu.memory_space<vmem>>
    %dma_wait3A_226 = tpu.memref_squeeze %dma_wait3A_225 : memref<1x128x128xf32, #tpu.memory_space<vmem>> -> memref<128x128xf32, #tpu.memory_space<vmem>>
    %dma_wait3A_227 = arith.constant 0 : i32
    %dma_wait3A_228 = tpu.memref_slice %arg6[%dma_wait3A_221, %dma_wait3A_227] : memref<4x128xi32, #tpu.memory_space<vmem>> -> memref<1x128xi32, #tpu.memory_space<vmem>>
    %dma_wait3A_229 = tpu.memref_squeeze %dma_wait3A_228 : memref<1x128xi32, #tpu.memory_space<vmem>> -> memref<128xi32, #tpu.memory_space<vmem>>
    %dma_wait3A_230 = arith.constant 0 : i32
    %dma_wait3A_231 = arith.constant 0 : i32
    %dma_wait3A_232 = tpu.memref_slice %arg4[%dma_wait3A_230, %dma_wait3A_231] : memref<1000000x128xf32, #tpu.memory_space<hbm>> -> memref<1000000x128xf32, #tpu.memory_space<hbm>>
    tpu.wait_indirect_dma semaphore(%arg11 : memref<!tpu.dma_semaphore, #tpu.memory_space<semaphore_mem>>) src(%dma_wait3A_232 : memref<1000000x128xf32, #tpu.memory_space<hbm>>) dst(%dma_wait3A_226 : memref<128x128xf32, #tpu.memory_space<vmem>>)
    %dma_wait3A_233 = arith.constant 3 : i32
    %dma_wait3A_234 = arith.constant 1 : i32
    %dma_wait3A_235 = arith.constant 0 : i32
    %dma_wait3A_236 = arith.constant 0 : i32
    %dma_wait3A_237 = tpu.memref_slice %arg8[%dma_wait3A_234, %dma_wait3A_235, %dma_wait3A_236] : memref<2x128x128xf32, #tpu.memory_space<vmem>> -> memref<1x128x128xf32, #tpu.memory_space<vmem>>
    %dma_wait3A_238 = tpu.memref_squeeze %dma_wait3A_237 : memref<1x128x128xf32, #tpu.memory_space<vmem>> -> memref<128x128xf32, #tpu.memory_space<vmem>>
    %dma_wait3A_239 = arith.constant 0 : i32
    %dma_wait3A_240 = arith.constant 0 : i32
    %dma_wait3A_241 = tpu.memref_slice %arg3[%add3A, %dma_wait3A_233, %dma_wait3A_239, %dma_wait3A_240] : memref<32x4x128x128xf32, #tpu.memory_space<hbm>> -> memref<1x1x128x128xf32, #tpu.memory_space<hbm>>
    %dma_wait3A_242 = tpu.memref_squeeze %dma_wait3A_241 : memref<1x1x128x128xf32, #tpu.memory_space<hbm>> -> memref<128x128xf32, #tpu.memory_space<hbm>>
    %dma_wait3A_243 = arith.constant 0 : i32
    %dma_wait3A_244 = arith.constant 0 : i32
    %dma_wait3A_245 = tpu.memref_slice %arg8[%dma_wait3A_234, %dma_wait3A_243, %dma_wait3A_244] : memref<2x128x128xf32, #tpu.memory_space<vmem>> -> memref<1x128x128xf32, #tpu.memory_space<vmem>>
    %dma_wait3A_246 = tpu.memref_squeeze %dma_wait3A_245 : memref<1x128x128xf32, #tpu.memory_space<vmem>> -> memref<128x128xf32, #tpu.memory_space<vmem>>
    %dma_wait3A_247 = arith.constant 0 : i32
    %dma_wait3A_248 = arith.constant 0 : i32
    %dma_wait3A_249 = tpu.memref_slice %arg3[%add3A, %dma_wait3A_233, %dma_wait3A_247, %dma_wait3A_248] : memref<32x4x128x128xf32, #tpu.memory_space<hbm>> -> memref<1x1x128x128xf32, #tpu.memory_space<hbm>>
    %dma_wait3A_250 = tpu.memref_squeeze %dma_wait3A_249 : memref<1x1x128x128xf32, #tpu.memory_space<hbm>> -> memref<128x128xf32, #tpu.memory_space<hbm>>
    tpu.wait_dma2 semaphore(%arg13 : memref<!tpu.dma_semaphore, #tpu.memory_space<semaphore_mem>>) src(%dma_wait3A_250 : memref<128x128xf32, #tpu.memory_space<hbm>>) dst(%dma_wait3A_246 : memref<128x128xf32, #tpu.memory_space<vmem>>)
    %parallel_loop3A_251 = arith.constant 0 : i32
    %parallel_loop3A_252 = arith.constant 128 : i32
    %parallel_loop3A_253 = arith.constant 2 : i32
    %parallel_loop3A_254:8 = scf.for %parallel_loop3A_266 = %parallel_loop3A_251 to %parallel_loop3A_252 step %parallel_loop3A_253 iter_args(%parallel_loop3A_267 = %parallel_loop3A_220#0, %parallel_loop3A_268 = %parallel_loop3A_220#1, %parallel_loop3A_269 = %parallel_loop3A_220#2, %parallel_loop3A_270 = %parallel_loop3A_220#3, %parallel_loop3A_271 = %parallel_loop3A_220#4, %parallel_loop3A_272 = %parallel_loop3A_220#5, %parallel_loop3A_273 = %parallel_loop3A_220#6, %parallel_loop3A_274 = %parallel_loop3A_220#7) -> (vector<16xf32>, vector<16xf32>, vector<16xf32>, vector<16xf32>, vector<16xf32>, vector<16xf32>, vector<16xf32>, vector<16xf32>)  : i32 {
      %parallel_loop3A_275 = arith.constant 0 : i32
      %parallel_loop3A_276 = arith.addi %parallel_loop3A_266, %parallel_loop3A_275 : i32
      %parallel_loop3A_277 = arith.constant 1 : i32
      %parallel_loop3A_278 = arith.index_cast %parallel_loop3A_277 : i32 to index
      %parallel_loop3A_279 = arith.index_cast %parallel_loop3A_276 : i32 to index
      %parallel_loop3A_280 = arith.constant 0 : index
      %parallel_loop3A_281 = tpu.vector_load %arg7[%parallel_loop3A_278, %parallel_loop3A_279, %parallel_loop3A_280] {strides = array<i32>} : memref<2x128x128xf32, #tpu.memory_space<vmem>>, vector<16xf32>,
      %parallel_loop3A_282 = arith.constant 0 : i32
      %parallel_loop3A_283 = arith.addi %parallel_loop3A_266, %parallel_loop3A_282 : i32
      %parallel_loop3A_284 = arith.constant 1 : i32
      %parallel_loop3A_285 = arith.index_cast %parallel_loop3A_284 : i32 to index
      %parallel_loop3A_286 = arith.index_cast %parallel_loop3A_283 : i32 to index
      %parallel_loop3A_287 = arith.constant 0 : index
      %parallel_loop3A_288 = tpu.vector_load %arg8[%parallel_loop3A_285, %parallel_loop3A_286, %parallel_loop3A_287] {strides = array<i32>} : memref<2x128x128xf32, #tpu.memory_space<vmem>>, vector<16xf32>,
      %parallel_loop3A_289 = math.log %parallel_loop3A_288 : vector<16xf32>
      %parallel_loop3A_290 = arith.mulf %parallel_loop3A_281, %parallel_loop3A_289 : vector<16xf32>
      %parallel_loop3A_291 = arith.addf %parallel_loop3A_267, %parallel_loop3A_290 : vector<16xf32>
      %parallel_loop3A_292 = arith.constant 0 : i32
      %parallel_loop3A_293 = arith.addi %parallel_loop3A_266, %parallel_loop3A_292 : i32
      %parallel_loop3A_294 = arith.constant 1 : i32
      %parallel_loop3A_295 = arith.index_cast %parallel_loop3A_294 : i32 to index
      %parallel_loop3A_296 = arith.index_cast %parallel_loop3A_293 : i32 to index
      %parallel_loop3A_297 = arith.constant 16 : index
      %parallel_loop3A_298 = tpu.vector_load %arg7[%parallel_loop3A_295, %parallel_loop3A_296, %parallel_loop3A_297] {strides = array<i32>} : memref<2x128x128xf32, #tpu.memory_space<vmem>>, vector<16xf32>,
      %parallel_loop3A_299 = arith.constant 0 : i32
      %parallel_loop3A_300 = arith.addi %parallel_loop3A_266, %parallel_loop3A_299 : i32
      %parallel_loop3A_301 = arith.constant 1 : i32
      %parallel_loop3A_302 = arith.index_cast %parallel_loop3A_301 : i32 to index
      %parallel_loop3A_303 = arith.index_cast %parallel_loop3A_300 : i32 to index
      %parallel_loop3A_304 = arith.constant 16 : index
      %parallel_loop3A_305 = tpu.vector_load %arg8[%parallel_loop3A_302, %parallel_loop3A_303, %parallel_loop3A_304] {strides = array<i32>} : memref<2x128x128xf32, #tpu.memory_space<vmem>>, vector<16xf32>,
      %parallel_loop3A_306 = math.log %parallel_loop3A_305 : vector<16xf32>
      %parallel_loop3A_307 = arith.mulf %parallel_loop3A_298, %parallel_loop3A_306 : vector<16xf32>
      %parallel_loop3A_308 = arith.addf %parallel_loop3A_268, %parallel_loop3A_307 : vector<16xf32>
      %parallel_loop3A_309 = arith.constant 0 : i32
      %parallel_loop3A_310 = arith.addi %parallel_loop3A_266, %parallel_loop3A_309 : i32
      %parallel_loop3A_311 = arith.constant 1 : i32
      %parallel_loop3A_312 = arith.index_cast %parallel_loop3A_311 : i32 to index
      %parallel_loop3A_313 = arith.index_cast %parallel_loop3A_310 : i32 to index
      %parallel_loop3A_314 = arith.constant 32 : index
      %parallel_loop3A_315 = tpu.vector_load %arg7[%parallel_loop3A_312, %parallel_loop3A_313, %parallel_loop3A_314] {strides = array<i32>} : memref<2x128x128xf32, #tpu.memory_space<vmem>>, vector<16xf32>,
      %parallel_loop3A_316 = arith.constant 0 : i32
      %parallel_loop3A_317 = arith.addi %parallel_loop3A_266, %parallel_loop3A_316 : i32
      %parallel_loop3A_318 = arith.constant 1 : i32
      %parallel_loop3A_319 = arith.index_cast %parallel_loop3A_318 : i32 to index
      %parallel_loop3A_320 = arith.index_cast %parallel_loop3A_317 : i32 to index
      %parallel_loop3A_321 = arith.constant 32 : index
      %parallel_loop3A_322 = tpu.vector_load %arg8[%parallel_loop3A_319, %parallel_loop3A_320, %parallel_loop3A_321] {strides = array<i32>} : memref<2x128x128xf32, #tpu.memory_space<vmem>>, vector<16xf32>,
      %parallel_loop3A_323 = math.log %parallel_loop3A_322 : vector<16xf32>
      %parallel_loop3A_324 = arith.mulf %parallel_loop3A_315, %parallel_loop3A_323 : vector<16xf32>
      %parallel_loop3A_325 = arith.addf %parallel_loop3A_269, %parallel_loop3A_324 : vector<16xf32>
      %parallel_loop3A_326 = arith.constant 0 : i32
      %parallel_loop3A_327 = arith.addi %parallel_loop3A_266, %parallel_loop3A_326 : i32
      %parallel_loop3A_328 = arith.constant 1 : i32
      %parallel_loop3A_329 = arith.index_cast %parallel_loop3A_328 : i32 to index
      %parallel_loop3A_330 = arith.index_cast %parallel_loop3A_327 : i32 to index
      %parallel_loop3A_331 = arith.constant 48 : index
      %parallel_loop3A_332 = tpu.vector_load %arg7[%parallel_loop3A_329, %parallel_loop3A_330, %parallel_loop3A_331] {strides = array<i32>} : memref<2x128x128xf32, #tpu.memory_space<vmem>>, vector<16xf32>,
      %parallel_loop3A_333 = arith.constant 0 : i32
      %parallel_loop3A_334 = arith.addi %parallel_loop3A_266, %parallel_loop3A_333 : i32
      %parallel_loop3A_335 = arith.constant 1 : i32
      %parallel_loop3A_336 = arith.index_cast %parallel_loop3A_335 : i32 to index
      %parallel_loop3A_337 = arith.index_cast %parallel_loop3A_334 : i32 to index
      %parallel_loop3A_338 = arith.constant 48 : index
      %parallel_loop3A_339 = tpu.vector_load %arg8[%parallel_loop3A_336, %parallel_loop3A_337, %parallel_loop3A_338] {strides = array<i32>} : memref<2x128x128xf32, #tpu.memory_space<vmem>>, vector<16xf32>,
      %parallel_loop3A_340 = math.log %parallel_loop3A_339 : vector<16xf32>
      %parallel_loop3A_341 = arith.mulf %parallel_loop3A_332, %parallel_loop3A_340 : vector<16xf32>
      %parallel_loop3A_342 = arith.addf %parallel_loop3A_270, %parallel_loop3A_341 : vector<16xf32>
      %parallel_loop3A_343 = arith.constant 0 : i32
      %parallel_loop3A_344 = arith.addi %parallel_loop3A_266, %parallel_loop3A_343 : i32
      %parallel_loop3A_345 = arith.constant 1 : i32
      %parallel_loop3A_346 = arith.index_cast %parallel_loop3A_345 : i32 to index
      %parallel_loop3A_347 = arith.index_cast %parallel_loop3A_344 : i32 to index
      %parallel_loop3A_348 = arith.constant 64 : index
      %parallel_loop3A_349 = tpu.vector_load %arg7[%parallel_loop3A_346, %parallel_loop3A_347, %parallel_loop3A_348] {strides = array<i32>} : memref<2x128x128xf32, #tpu.memory_space<vmem>>, vector<16xf32>,
      %parallel_loop3A_350 = arith.constant 0 : i32
      %parallel_loop3A_351 = arith.addi %parallel_loop3A_266, %parallel_loop3A_350 : i32
      %parallel_loop3A_352 = arith.constant 1 : i32
      %parallel_loop3A_353 = arith.index_cast %parallel_loop3A_352 : i32 to index
      %parallel_loop3A_354 = arith.index_cast %parallel_loop3A_351 : i32 to index
      %parallel_loop3A_355 = arith.constant 64 : index
      %parallel_loop3A_356 = tpu.vector_load %arg8[%parallel_loop3A_353, %parallel_loop3A_354, %parallel_loop3A_355] {strides = array<i32>} : memref<2x128x128xf32, #tpu.memory_space<vmem>>, vector<16xf32>,
      %parallel_loop3A_357 = math.log %parallel_loop3A_356 : vector<16xf32>
      %parallel_loop3A_358 = arith.mulf %parallel_loop3A_349, %parallel_loop3A_357 : vector<16xf32>
      %parallel_loop3A_359 = arith.addf %parallel_loop3A_271, %parallel_loop3A_358 : vector<16xf32>
      %parallel_loop3A_360 = arith.constant 0 : i32
      %parallel_loop3A_361 = arith.addi %parallel_loop3A_266, %parallel_loop3A_360 : i32
      %parallel_loop3A_362 = arith.constant 1 : i32
      %parallel_loop3A_363 = arith.index_cast %parallel_loop3A_362 : i32 to index
      %parallel_loop3A_364 = arith.index_cast %parallel_loop3A_361 : i32 to index
      %parallel_loop3A_365 = arith.constant 80 : index
      %parallel_loop3A_366 = tpu.vector_load %arg7[%parallel_loop3A_363, %parallel_loop3A_364, %parallel_loop3A_365] {strides = array<i32>} : memref<2x128x128xf32, #tpu.memory_space<vmem>>, vector<16xf32>,
      %parallel_loop3A_367 = arith.constant 0 : i32
      %parallel_loop3A_368 = arith.addi %parallel_loop3A_266, %parallel_loop3A_367 : i32
      %parallel_loop3A_369 = arith.constant 1 : i32
      %parallel_loop3A_370 = arith.index_cast %parallel_loop3A_369 : i32 to index
      %parallel_loop3A_371 = arith.index_cast %parallel_loop3A_368 : i32 to index
      %parallel_loop3A_372 = arith.constant 80 : index
      %parallel_loop3A_373 = tpu.vector_load %arg8[%parallel_loop3A_370, %parallel_loop3A_371, %parallel_loop3A_372] {strides = array<i32>} : memref<2x128x128xf32, #tpu.memory_space<vmem>>, vector<16xf32>,
      %parallel_loop3A_374 = math.log %parallel_loop3A_373 : vector<16xf32>
      %parallel_loop3A_375 = arith.mulf %parallel_loop3A_366, %parallel_loop3A_374 : vector<16xf32>
      %parallel_loop3A_376 = arith.addf %parallel_loop3A_272, %parallel_loop3A_375 : vector<16xf32>
      %parallel_loop3A_377 = arith.constant 0 : i32
      %parallel_loop3A_378 = arith.addi %parallel_loop3A_266, %parallel_loop3A_377 : i32
      %parallel_loop3A_379 = arith.constant 1 : i32
      %parallel_loop3A_380 = arith.index_cast %parallel_loop3A_379 : i32 to index
      %parallel_loop3A_381 = arith.index_cast %parallel_loop3A_378 : i32 to index
      %parallel_loop3A_382 = arith.constant 96 : index
      %parallel_loop3A_383 = tpu.vector_load %arg7[%parallel_loop3A_380, %parallel_loop3A_381, %parallel_loop3A_382] {strides = array<i32>} : memref<2x128x128xf32, #tpu.memory_space<vmem>>, vector<16xf32>,
      %parallel_loop3A_384 = arith.constant 0 : i32
      %parallel_loop3A_385 = arith.addi %parallel_loop3A_266, %parallel_loop3A_384 : i32
      %parallel_loop3A_386 = arith.constant 1 : i32
      %parallel_loop3A_387 = arith.index_cast %parallel_loop3A_386 : i32 to index
      %parallel_loop3A_388 = arith.index_cast %parallel_loop3A_385 : i32 to index
      %parallel_loop3A_389 = arith.constant 96 : index
      %parallel_loop3A_390 = tpu.vector_load %arg8[%parallel_loop3A_387, %parallel_loop3A_388, %parallel_loop3A_389] {strides = array<i32>} : memref<2x128x128xf32, #tpu.memory_space<vmem>>, vector<16xf32>,
      %parallel_loop3A_391 = math.log %parallel_loop3A_390 : vector<16xf32>
      %parallel_loop3A_392 = arith.mulf %parallel_loop3A_383, %parallel_loop3A_391 : vector<16xf32>
      %parallel_loop3A_393 = arith.addf %parallel_loop3A_273, %parallel_loop3A_392 : vector<16xf32>
      %parallel_loop3A_394 = arith.constant 0 : i32
      %parallel_loop3A_395 = arith.addi %parallel_loop3A_266, %parallel_loop3A_394 : i32
      %parallel_loop3A_396 = arith.constant 1 : i32
      %parallel_loop3A_397 = arith.index_cast %parallel_loop3A_396 : i32 to index
      %parallel_loop3A_398 = arith.index_cast %parallel_loop3A_395 : i32 to index
      %parallel_loop3A_399 = arith.constant 112 : index
      %parallel_loop3A_400 = tpu.vector_load %arg7[%parallel_loop3A_397, %parallel_loop3A_398, %parallel_loop3A_399] {strides = array<i32>} : memref<2x128x128xf32, #tpu.memory_space<vmem>>, vector<16xf32>,
      %parallel_loop3A_401 = arith.constant 0 : i32
      %parallel_loop3A_402 = arith.addi %parallel_loop3A_266, %parallel_loop3A_401 : i32
      %parallel_loop3A_403 = arith.constant 1 : i32
      %parallel_loop3A_404 = arith.index_cast %parallel_loop3A_403 : i32 to index
      %parallel_loop3A_405 = arith.index_cast %parallel_loop3A_402 : i32 to index
      %parallel_loop3A_406 = arith.constant 112 : index
      %parallel_loop3A_407 = tpu.vector_load %arg8[%parallel_loop3A_404, %parallel_loop3A_405, %parallel_loop3A_406] {strides = array<i32>} : memref<2x128x128xf32, #tpu.memory_space<vmem>>, vector<16xf32>,
      %parallel_loop3A_408 = math.log %parallel_loop3A_407 : vector<16xf32>
      %parallel_loop3A_409 = arith.mulf %parallel_loop3A_400, %parallel_loop3A_408 : vector<16xf32>
      %parallel_loop3A_410 = arith.addf %parallel_loop3A_274, %parallel_loop3A_409 : vector<16xf32>
      %parallel_loop3A_411 = arith.constant 1 : i32
      %parallel_loop3A_412 = arith.addi %parallel_loop3A_266, %parallel_loop3A_411 : i32
      %parallel_loop3A_413 = arith.constant 1 : i32
      %parallel_loop3A_414 = arith.index_cast %parallel_loop3A_413 : i32 to index
      %parallel_loop3A_415 = arith.index_cast %parallel_loop3A_412 : i32 to index
      %parallel_loop3A_416 = arith.constant 0 : index
      %parallel_loop3A_417 = tpu.vector_load %arg7[%parallel_loop3A_414, %parallel_loop3A_415, %parallel_loop3A_416] {strides = array<i32>} : memref<2x128x128xf32, #tpu.memory_space<vmem>>, vector<16xf32>,
      %parallel_loop3A_418 = arith.constant 1 : i32
      %parallel_loop3A_419 = arith.addi %parallel_loop3A_266, %parallel_loop3A_418 : i32
      %parallel_loop3A_420 = arith.constant 1 : i32
      %parallel_loop3A_421 = arith.index_cast %parallel_loop3A_420 : i32 to index
      %parallel_loop3A_422 = arith.index_cast %parallel_loop3A_419 : i32 to index
      %parallel_loop3A_423 = arith.constant 0 : index
      %parallel_loop3A_424 = tpu.vector_load %arg8[%parallel_loop3A_421, %parallel_loop3A_422, %parallel_loop3A_423] {strides = array<i32>} : memref<2x128x128xf32, #tpu.memory_space<vmem>>, vector<16xf32>,
      %parallel_loop3A_425 = math.log %parallel_loop3A_424 : vector<16xf32>
      %parallel_loop3A_426 = arith.mulf %parallel_loop3A_417, %parallel_loop3A_425 : vector<16xf32>
      %parallel_loop3A_427 = arith.addf %parallel_loop3A_291, %parallel_loop3A_426 : vector<16xf32>
      %parallel_loop3A_428 = arith.constant 1 : i32
      %parallel_loop3A_429 = arith.addi %parallel_loop3A_266, %parallel_loop3A_428 : i32
      %parallel_loop3A_430 = arith.constant 1 : i32
      %parallel_loop3A_431 = arith.index_cast %parallel_loop3A_430 : i32 to index
      %parallel_loop3A_432 = arith.index_cast %parallel_loop3A_429 : i32 to index
      %parallel_loop3A_433 = arith.constant 16 : index
      %parallel_loop3A_434 = tpu.vector_load %arg7[%parallel_loop3A_431, %parallel_loop3A_432, %parallel_loop3A_433] {strides = array<i32>} : memref<2x128x128xf32, #tpu.memory_space<vmem>>, vector<16xf32>,
      %parallel_loop3A_435 = arith.constant 1 : i32
      %parallel_loop3A_436 = arith.addi %parallel_loop3A_266, %parallel_loop3A_435 : i32
      %parallel_loop3A_437 = arith.constant 1 : i32
      %parallel_loop3A_438 = arith.index_cast %parallel_loop3A_437 : i32 to index
      %parallel_loop3A_439 = arith.index_cast %parallel_loop3A_436 : i32 to index
      %parallel_loop3A_440 = arith.constant 16 : index
      %parallel_loop3A_441 = tpu.vector_load %arg8[%parallel_loop3A_438, %parallel_loop3A_439, %parallel_loop3A_440] {strides = array<i32>} : memref<2x128x128xf32, #tpu.memory_space<vmem>>, vector<16xf32>,
      %parallel_loop3A_442 = math.log %parallel_loop3A_441 : vector<16xf32>
      %parallel_loop3A_443 = arith.mulf %parallel_loop3A_434, %parallel_loop3A_442 : vector<16xf32>
      %parallel_loop3A_444 = arith.addf %parallel_loop3A_308, %parallel_loop3A_443 : vector<16xf32>
      %parallel_loop3A_445 = arith.constant 1 : i32
      %parallel_loop3A_446 = arith.addi %parallel_loop3A_266, %parallel_loop3A_445 : i32
      %parallel_loop3A_447 = arith.constant 1 : i32
      %parallel_loop3A_448 = arith.index_cast %parallel_loop3A_447 : i32 to index
      %parallel_loop3A_449 = arith.index_cast %parallel_loop3A_446 : i32 to index
      %parallel_loop3A_450 = arith.constant 32 : index
      %parallel_loop3A_451 = tpu.vector_load %arg7[%parallel_loop3A_448, %parallel_loop3A_449, %parallel_loop3A_450] {strides = array<i32>} : memref<2x128x128xf32, #tpu.memory_space<vmem>>, vector<16xf32>,
      %parallel_loop3A_452 = arith.constant 1 : i32
      %parallel_loop3A_453 = arith.addi %parallel_loop3A_266, %parallel_loop3A_452 : i32
      %parallel_loop3A_454 = arith.constant 1 : i32
      %parallel_loop3A_455 = arith.index_cast %parallel_loop3A_454 : i32 to index
      %parallel_loop3A_456 = arith.index_cast %parallel_loop3A_453 : i32 to index
      %parallel_loop3A_457 = arith.constant 32 : index
      %parallel_loop3A_458 = tpu.vector_load %arg8[%parallel_loop3A_455, %parallel_loop3A_456, %parallel_loop3A_457] {strides = array<i32>} : memref<2x128x128xf32, #tpu.memory_space<vmem>>, vector<16xf32>,
      %parallel_loop3A_459 = math.log %parallel_loop3A_458 : vector<16xf32>
      %parallel_loop3A_460 = arith.mulf %parallel_loop3A_451, %parallel_loop3A_459 : vector<16xf32>
      %parallel_loop3A_461 = arith.addf %parallel_loop3A_325, %parallel_loop3A_460 : vector<16xf32>
      %parallel_loop3A_462 = arith.constant 1 : i32
      %parallel_loop3A_463 = arith.addi %parallel_loop3A_266, %parallel_loop3A_462 : i32
      %parallel_loop3A_464 = arith.constant 1 : i32
      %parallel_loop3A_465 = arith.index_cast %parallel_loop3A_464 : i32 to index
      %parallel_loop3A_466 = arith.index_cast %parallel_loop3A_463 : i32 to index
      %parallel_loop3A_467 = arith.constant 48 : index
      %parallel_loop3A_468 = tpu.vector_load %arg7[%parallel_loop3A_465, %parallel_loop3A_466, %parallel_loop3A_467] {strides = array<i32>} : memref<2x128x128xf32, #tpu.memory_space<vmem>>, vector<16xf32>,
      %parallel_loop3A_469 = arith.constant 1 : i32
      %parallel_loop3A_470 = arith.addi %parallel_loop3A_266, %parallel_loop3A_469 : i32
      %parallel_loop3A_471 = arith.constant 1 : i32
      %parallel_loop3A_472 = arith.index_cast %parallel_loop3A_471 : i32 to index
      %parallel_loop3A_473 = arith.index_cast %parallel_loop3A_470 : i32 to index
      %parallel_loop3A_474 = arith.constant 48 : index
      %parallel_loop3A_475 = tpu.vector_load %arg8[%parallel_loop3A_472, %parallel_loop3A_473, %parallel_loop3A_474] {strides = array<i32>} : memref<2x128x128xf32, #tpu.memory_space<vmem>>, vector<16xf32>,
      %parallel_loop3A_476 = math.log %parallel_loop3A_475 : vector<16xf32>
      %parallel_loop3A_477 = arith.mulf %parallel_loop3A_468, %parallel_loop3A_476 : vector<16xf32>
      %parallel_loop3A_478 = arith.addf %parallel_loop3A_342, %parallel_loop3A_477 : vector<16xf32>
      %parallel_loop3A_479 = arith.constant 1 : i32
      %parallel_loop3A_480 = arith.addi %parallel_loop3A_266, %parallel_loop3A_479 : i32
      %parallel_loop3A_481 = arith.constant 1 : i32
      %parallel_loop3A_482 = arith.index_cast %parallel_loop3A_481 : i32 to index
      %parallel_loop3A_483 = arith.index_cast %parallel_loop3A_480 : i32 to index
      %parallel_loop3A_484 = arith.constant 64 : index
      %parallel_loop3A_485 = tpu.vector_load %arg7[%parallel_loop3A_482, %parallel_loop3A_483, %parallel_loop3A_484] {strides = array<i32>} : memref<2x128x128xf32, #tpu.memory_space<vmem>>, vector<16xf32>,
      %parallel_loop3A_486 = arith.constant 1 : i32
      %parallel_loop3A_487 = arith.addi %parallel_loop3A_266, %parallel_loop3A_486 : i32
      %parallel_loop3A_488 = arith.constant 1 : i32
      %parallel_loop3A_489 = arith.index_cast %parallel_loop3A_488 : i32 to index
      %parallel_loop3A_490 = arith.index_cast %parallel_loop3A_487 : i32 to index
      %parallel_loop3A_491 = arith.constant 64 : index
      %parallel_loop3A_492 = tpu.vector_load %arg8[%parallel_loop3A_489, %parallel_loop3A_490, %parallel_loop3A_491] {strides = array<i32>} : memref<2x128x128xf32, #tpu.memory_space<vmem>>, vector<16xf32>,
      %parallel_loop3A_493 = math.log %parallel_loop3A_492 : vector<16xf32>
      %parallel_loop3A_494 = arith.mulf %parallel_loop3A_485, %parallel_loop3A_493 : vector<16xf32>
      %parallel_loop3A_495 = arith.addf %parallel_loop3A_359, %parallel_loop3A_494 : vector<16xf32>
      %parallel_loop3A_496 = arith.constant 1 : i32
      %parallel_loop3A_497 = arith.addi %parallel_loop3A_266, %parallel_loop3A_496 : i32
      %parallel_loop3A_498 = arith.constant 1 : i32
      %parallel_loop3A_499 = arith.index_cast %parallel_loop3A_498 : i32 to index
      %parallel_loop3A_500 = arith.index_cast %parallel_loop3A_497 : i32 to index
      %parallel_loop3A_501 = arith.constant 80 : index
      %parallel_loop3A_502 = tpu.vector_load %arg7[%parallel_loop3A_499, %parallel_loop3A_500, %parallel_loop3A_501] {strides = array<i32>} : memref<2x128x128xf32, #tpu.memory_space<vmem>>, vector<16xf32>,
      %parallel_loop3A_503 = arith.constant 1 : i32
      %parallel_loop3A_504 = arith.addi %parallel_loop3A_266, %parallel_loop3A_503 : i32
      %parallel_loop3A_505 = arith.constant 1 : i32
      %parallel_loop3A_506 = arith.index_cast %parallel_loop3A_505 : i32 to index
      %parallel_loop3A_507 = arith.index_cast %parallel_loop3A_504 : i32 to index
      %parallel_loop3A_508 = arith.constant 80 : index
      %parallel_loop3A_509 = tpu.vector_load %arg8[%parallel_loop3A_506, %parallel_loop3A_507, %parallel_loop3A_508] {strides = array<i32>} : memref<2x128x128xf32, #tpu.memory_space<vmem>>, vector<16xf32>,
      %parallel_loop3A_510 = math.log %parallel_loop3A_509 : vector<16xf32>
      %parallel_loop3A_511 = arith.mulf %parallel_loop3A_502, %parallel_loop3A_510 : vector<16xf32>
      %parallel_loop3A_512 = arith.addf %parallel_loop3A_376, %parallel_loop3A_511 : vector<16xf32>
      %parallel_loop3A_513 = arith.constant 1 : i32
      %parallel_loop3A_514 = arith.addi %parallel_loop3A_266, %parallel_loop3A_513 : i32
      %parallel_loop3A_515 = arith.constant 1 : i32
      %parallel_loop3A_516 = arith.index_cast %parallel_loop3A_515 : i32 to index
      %parallel_loop3A_517 = arith.index_cast %parallel_loop3A_514 : i32 to index
      %parallel_loop3A_518 = arith.constant 96 : index
      %parallel_loop3A_519 = tpu.vector_load %arg7[%parallel_loop3A_516, %parallel_loop3A_517, %parallel_loop3A_518] {strides = array<i32>} : memref<2x128x128xf32, #tpu.memory_space<vmem>>, vector<16xf32>,
      %parallel_loop3A_520 = arith.constant 1 : i32
      %parallel_loop3A_521 = arith.addi %parallel_loop3A_266, %parallel_loop3A_520 : i32
      %parallel_loop3A_522 = arith.constant 1 : i32
      %parallel_loop3A_523 = arith.index_cast %parallel_loop3A_522 : i32 to index
      %parallel_loop3A_524 = arith.index_cast %parallel_loop3A_521 : i32 to index
      %parallel_loop3A_525 = arith.constant 96 : index
      %parallel_loop3A_526 = tpu.vector_load %arg8[%parallel_loop3A_523, %parallel_loop3A_524, %parallel_loop3A_525] {strides = array<i32>} : memref<2x128x128xf32, #tpu.memory_space<vmem>>, vector<16xf32>,
      %parallel_loop3A_527 = math.log %parallel_loop3A_526 : vector<16xf32>
      %parallel_loop3A_528 = arith.mulf %parallel_loop3A_519, %parallel_loop3A_527 : vector<16xf32>
      %parallel_loop3A_529 = arith.addf %parallel_loop3A_393, %parallel_loop3A_528 : vector<16xf32>
      %parallel_loop3A_530 = arith.constant 1 : i32
      %parallel_loop3A_531 = arith.addi %parallel_loop3A_266, %parallel_loop3A_530 : i32
      %parallel_loop3A_532 = arith.constant 1 : i32
      %parallel_loop3A_533 = arith.index_cast %parallel_loop3A_532 : i32 to index
      %parallel_loop3A_534 = arith.index_cast %parallel_loop3A_531 : i32 to index
      %parallel_loop3A_535 = arith.constant 112 : index
      %parallel_loop3A_536 = tpu.vector_load %arg7[%parallel_loop3A_533, %parallel_loop3A_534, %parallel_loop3A_535] {strides = array<i32>} : memref<2x128x128xf32, #tpu.memory_space<vmem>>, vector<16xf32>,
      %parallel_loop3A_537 = arith.constant 1 : i32
      %parallel_loop3A_538 = arith.addi %parallel_loop3A_266, %parallel_loop3A_537 : i32
      %parallel_loop3A_539 = arith.constant 1 : i32
      %parallel_loop3A_540 = arith.index_cast %parallel_loop3A_539 : i32 to index
      %parallel_loop3A_541 = arith.index_cast %parallel_loop3A_538 : i32 to index
      %parallel_loop3A_542 = arith.constant 112 : index
      %parallel_loop3A_543 = tpu.vector_load %arg8[%parallel_loop3A_540, %parallel_loop3A_541, %parallel_loop3A_542] {strides = array<i32>} : memref<2x128x128xf32, #tpu.memory_space<vmem>>, vector<16xf32>,
      %parallel_loop3A_544 = math.log %parallel_loop3A_543 : vector<16xf32>
      %parallel_loop3A_545 = arith.mulf %parallel_loop3A_536, %parallel_loop3A_544 : vector<16xf32>
      %parallel_loop3A_546 = arith.addf %parallel_loop3A_410, %parallel_loop3A_545 : vector<16xf32>
      scf.yield %parallel_loop3A_427, %parallel_loop3A_444, %parallel_loop3A_461, %parallel_loop3A_478, %parallel_loop3A_495, %parallel_loop3A_512, %parallel_loop3A_529, %parallel_loop3A_546 : vector<16xf32>, vector<16xf32>, vector<16xf32>, vector<16xf32>, vector<16xf32>, vector<16xf32>, vector<16xf32>, vector<16xf32>
    } {sc.loop_unroll_factor = 1 : i64, sc.parallel_access}
    %add3A_255 = arith.addf %parallel_loop3A_254#0, %parallel_loop3A_254#1 : vector<16xf32>
    %add3A_256 = arith.addf %add3A_255, %parallel_loop3A_254#2 : vector<16xf32>
    %add3A_257 = arith.addf %add3A_256, %parallel_loop3A_254#3 : vector<16xf32>
    %add3A_258 = arith.addf %add3A_257, %parallel_loop3A_254#4 : vector<16xf32>
    %add3A_259 = arith.addf %add3A_258, %parallel_loop3A_254#5 : vector<16xf32>
    %add3A_260 = arith.addf %add3A_259, %parallel_loop3A_254#6 : vector<16xf32>
    %add3A_261 = arith.addf %add3A_260, %parallel_loop3A_254#7 : vector<16xf32>
    %mul3A_262 = arith.constant -6.10351563E-5 : f32
    %mul3A_263 = vector.broadcast %mul3A_262 : f32 to vector<16xf32>
    %mul3A_264 = arith.mulf %add3A_261, %mul3A_263 : vector<16xf32>
    %swap3A = arith.constant 0 : index
    %swap3A_265 = tpu.vector_load %arg9[%swap3A] {strides = array<i32>} : memref<16xf32, #tpu.memory_space<vmem>>, vector<16xf32>,
    tpu.vector_store %arg9[%swap3A], %mul3A_264 {strides = array<i32>} : memref<16xf32, #tpu.memory_space<vmem>>, vector<16xf32>,
    "tpu.region"() ({
      %run_scoped3A = tpu.sem_alloc : memref<!tpu.dma_semaphore, #tpu.memory_space<semaphore_mem>>
      %dma_start3A_266 = arith.constant 0 : i32
      %dma_start3A_267 = tpu.memref_slice %arg5[%add3A, %dma_start3A_266] : memref<32x16xf32, #tpu.memory_space<hbm>> -> memref<1x16xf32, #tpu.memory_space<hbm>>
      %dma_start3A_268 = tpu.memref_squeeze %dma_start3A_267 : memref<1x16xf32, #tpu.memory_space<hbm>> -> memref<16xf32, #tpu.memory_space<hbm>>
      %dma_start3A_269 = arith.constant 0 : i32
      %dma_start3A_270 = tpu.memref_slice %arg5[%add3A, %dma_start3A_269] : memref<32x16xf32, #tpu.memory_space<hbm>> -> memref<1x16xf32, #tpu.memory_space<hbm>>
      %dma_start3A_271 = tpu.memref_squeeze %dma_start3A_270 : memref<1x16xf32, #tpu.memory_space<hbm>> -> memref<16xf32, #tpu.memory_space<hbm>>
      tpu.enqueue_dma source(%arg9 : memref<16xf32, #tpu.memory_space<vmem>>) target(%dma_start3A_271 : memref<16xf32, #tpu.memory_space<hbm>>) target_semaphore(%run_scoped3A : memref<!tpu.dma_semaphore, #tpu.memory_space<semaphore_mem>>)
      %dma_wait3A_272 = arith.constant 0 : i32
      %dma_wait3A_273 = tpu.memref_slice %arg5[%add3A, %dma_wait3A_272] : memref<32x16xf32, #tpu.memory_space<hbm>> -> memref<1x16xf32, #tpu.memory_space<hbm>>
      %dma_wait3A_274 = tpu.memref_squeeze %dma_wait3A_273 : memref<1x16xf32, #tpu.memory_space<hbm>> -> memref<16xf32, #tpu.memory_space<hbm>>
      %dma_wait3A_275 = arith.constant 0 : i32
      %dma_wait3A_276 = tpu.memref_slice %arg5[%add3A, %dma_wait3A_275] : memref<32x16xf32, #tpu.memory_space<hbm>> -> memref<1x16xf32, #tpu.memory_space<hbm>>
      %dma_wait3A_277 = tpu.memref_squeeze %dma_wait3A_276 : memref<1x16xf32, #tpu.memory_space<hbm>> -> memref<16xf32, #tpu.memory_space<hbm>>
      tpu.wait_dma2 semaphore(%run_scoped3A : memref<!tpu.dma_semaphore, #tpu.memory_space<semaphore_mem>>) src(%arg9 : memref<16xf32, #tpu.memory_space<vmem>>) dst(%dma_wait3A_277 : memref<16xf32, #tpu.memory_space<hbm>>)
      tpu.yield
    }) : () -> ()
    return
  }
}

</mosaic_0001>

<sc_bundles>
// kernel: kernel.3.cloned.1.call-start
scs
__scs_entry_jumppad:
0x0: {  	(pc) =	sbr.rel $0x88, $3  }
0x1: {  	(tag) =	ssettag $0x0;
	lr =	simm.s32 $0x1  }
0x2: {  	[smem:$0x3F9E] =	sst lr;
	_ =	strace $0xD0000000  }
0x3: {  	_ = 	snop  }
0x4: {  	_ = 	snop  }
0x5: {  	_ = 	snop  }
0x6: {  	_ = 	snop  }
0x7: {  	_ = 	snop  }
__scs_overlays_trampoline_lowered:
0x8: {  	[smem:$0x3FAD] =	sst s0  }
0x9: {  	[smem:$0x3FAE] =	sst s1  }
0xa: {  	[smem:$0x3FAF] =	sst s2  }
0xb: {  	[smem:$0x3FB0] =	sst s3  }
0xc: {  	[smem:$0x3FB1] =	sst s4  }
0xd: {  	[smem:$0x3FB2] =	sst s5  }
0xe: {  	[smem:$0x3FB3] =	sst s6  }
0xf: {  	[smem:$0x3FB4] =	sst s7  }
0x10: {  	[smem:$0x3FB5] =	sst s8  }
0x11: {  	[smem:$0x3FB6] =	sst s9;
	s0 =	simm.s32 @!p0 $0x0  }
0x12: {  	s1 =	sld [smem:$0x3F9C];
	s0 =	simm.s32 @p0 $0x1  }
0x13: {  	[smem:$0x3FB7] =	sst s0;
	s0 =	simm.s32 @!p1 $0x0  }
0x14: {  	s2 =	sld [smem:$0x3F9B];
	s0 =	simm.s32 @p1 $0x1  }
0x15: {  	[smem:$0x3FB8] =	sst s0;
	s0 =	simm.s32 @!p2 $0x0  }
0x16: {  	s3 =	sld [smem:$0x3FDB];
	s0 =	simm.s32 @p2 $0x1  }
0x17: {  	s4 =	simm.s32 $0x1BF5;
	[smem:$0x3FBA] =	sst s0  }
0x18: {  	s0 =	sld [smem:$0x3F9D];
	_ =	swait.ge [sflag:s4], $0x0  }
0x19: {  	s7 =	sld [smem:$0x3F9E]  }
0x1a: {  	s8 =	sadd.s32 $0xFFFFE003, lr  }
0x1b: {  	s9 =	sadd.s32 $0xFFFFFEF7, lr;
	s5 =	simm.s32 $0xFFFFFFFF;
	p2 =	slt.u32 s8, $0xFFFFF086  }
0x1c: {  	p1 =	slt.u32 s9, $0xF7A;
	s5 =	simm.s32 @!p2 $0x0  }
0x1d: {  	s5 =	simm.s32 @p1 $0x1;
	p0 =	seq.s32 s7, s2  }
0x1e: {  	s7 =	smul.u32 @!p0 $0xF7A, s2;
	p2 =	seq.s32 @!p0 s5, $0x0  }
0x1f: {  	s9 =	smul.u32 $0xF7A, s1;
	s8 =	simm.s32 @!p0 $0x1BF5;
	p2 =	por !p2, p0  }
0x20: {  	[sflag:s8] =	ssyncset.s32 @!p0 $0xFFFFF086;
	s6 =	sadd.s32 @!p0 s3, s7;
	s7 =	simm.s32 @!p0 $0x108  }
0x21: {  	s3 =	sadd.s32 s3, s9;
	s6 =	sadd.s32 @!p0 $0x88, s6;
	s7 =	simm.s32 @p2 $0x1082  }
0x22: {  	[simem:s7], [sflag:s8] =	dma.local @!p0 [hbm:s6], $0xF7A  }
0x23: {  	s9 =	sor.u32 $0xD0000000, s2;
	s6 =	simm.s32 $0x108;
	_ =	swait.ge @!p0 [sflag:s8], $0x0  }
0x24: {  	s3 =	sadd.s32 $0x88, s3;
	s6 =	simm.s32 @!p1 $0x1082;
	[sflag:s4] =	ssyncset.s32 $0xFFFFF086  }
0x25: {  	[simem:s6], [sflag:s4] =	dma.local [hbm:s3], $0xF7A  }
0x26: {  	[smem:$0x3F9E] =	sst s1;
	(tag) =	ssettag s2;
	_ =	strace s9  }
0x27: {  	s1 =	sld [smem:$0x3FAE]  }
0x28: {  	s2 =	sld [smem:$0x3FAF]  }
0x29: {  	s4 =	sld [smem:$0x3FB1]  }
0x2a: {  	p0 =	seq.s32 s5, $0x0;
	s5 =	sld [smem:$0x3FB2]  }
0x2b: {  	s6 =	sld [smem:$0x3FB3]  }
0x2c: {  	s7 =	sld [smem:$0x3FB4]  }
0x2d: {  	s3 =	simm.s32 $0x108;
	s8 =	sld [smem:$0x3FB5]  }
0x2e: {  	s3 =	simm.s32 @!p0 $0x1082;
	s9 =	sld [smem:$0x3FB6]  }
0x2f: {  	lr =	sadd.s32 s0, s3;
	s0 =	sld [smem:$0x3FAD]  }
0x30: {  	s3 =	sld [smem:$0x3FB0]  }
0x31: {  	[smem:$0x3FB9] =	sst s10  }
0x32: {  	s10 =	sld [smem:$0x3FB7];
	_ =	sdelay $0x3  }
0x33: {  	p0 =	seq.s32 s10, $0x1;
	s10 =	sld [smem:$0x3FB9];
	_ =	sdelay $0x3  }
0x34: {  	[smem:$0x3FB9] =	sst s10  }
0x35: {  	s10 =	sld [smem:$0x3FB8];
	_ =	sdelay $0x3  }
0x36: {  	p1 =	seq.s32 s10, $0x1;
	s10 =	sld [smem:$0x3FB9];
	_ =	sdelay $0x3  }
0x37: {  	[smem:$0x3FB9] =	sst s10  }
0x38: {  	s10 =	sld [smem:$0x3FBA]  }
0x39: {  	_ = 	snop;
	(pc) =	sbr.ind lr, $3  }
0x3a: {  	_ = 	snop  }
0x3b: {  	_ = 	snop  }
0x3c: {  	p2 =	seq.s32 s10, $0x1;
	s10 =	sld [smem:$0x3FB9]  }
0x3d: {  	_ =	shalt  }
0x3e: {  	_ =	shalt  }
0x3f: {  	_ =	shalt  }
0x40: {  	_ =	shalt  }
0x41: {  	_ =	shalt  }
0x42: {  	_ =	shalt  }
0x43: {  	_ =	shalt  }
0x44: {  	_ =	shalt  }
0x45: {  	_ =	shalt  }
0x46: {  	_ =	shalt  }
0x47: {  	_ =	shalt  }
0x48: {  	_ =	shalt  }
0x49: {  	_ =	shalt  }
0x4a: {  	_ =	shalt  }
0x4b: {  	_ =	shalt  }
0x4c: {  	_ =	shalt  }
0x4d: {  	_ =	shalt  }
0x4e: {  	_ =	shalt  }
0x4f: {  	_ =	shalt  }
0x50: {  	_ =	shalt  }
0x51: {  	_ =	shalt  }
0x52: {  	_ =	shalt  }
0x53: {  	_ =	shalt  }
0x54: {  	_ =	shalt  }
0x55: {  	_ =	shalt  }
0x56: {  	_ =	shalt  }
0x57: {  	_ =	shalt  }
0x58: {  	_ =	shalt  }
0x59: {  	_ =	shalt  }
0x5a: {  	_ =	shalt  }
0x5b: {  	_ =	shalt  }
0x5c: {  	_ =	shalt  }
0x5d: {  	_ =	shalt  }
0x5e: {  	_ =	shalt  }
0x5f: {  	_ =	shalt  }
0x60: {  	_ =	shalt  }
0x61: {  	_ =	shalt  }
0x62: {  	_ =	shalt  }
0x63: {  	_ =	shalt  }
0x64: {  	_ =	shalt  }
0x65: {  	_ =	shalt  }
0x66: {  	_ =	shalt  }
0x67: {  	_ =	shalt  }
0x68: {  	_ =	shalt  }
0x69: {  	_ =	shalt  }
0x6a: {  	_ =	shalt  }
0x6b: {  	_ =	shalt  }
0x6c: {  	_ =	shalt  }
0x6d: {  	_ =	shalt  }
0x6e: {  	_ =	shalt  }
0x6f: {  	_ =	shalt  }
0x70: {  	_ =	shalt  }
0x71: {  	_ =	shalt  }
0x72: {  	_ =	shalt  }
0x73: {  	_ =	shalt  }
0x74: {  	_ =	shalt  }
0x75: {  	_ =	shalt  }
0x76: {  	_ =	shalt  }
0x77: {  	_ =	shalt  }
0x78: {  	_ =	shalt  }
0x79: {  	_ =	shalt  }
0x7a: {  	_ =	shalt  }
0x7b: {  	_ =	shalt  }
0x7c: {  	_ =	shalt  }
0x7d: {  	_ =	shalt  }
0x7e: {  	_ =	shalt  }
0x7f: {  	_ =	shalt  }
0x80: {  	_ =	shalt  }
0x81: {  	_ =	shalt  }
0x82: {  	_ =	shalt  }
0x83: {  	_ =	shalt  }
0x84: {  	_ =	shalt  }
0x85: {  	_ =	shalt  }
0x86: {  	_ =	shalt  }
0x87: {  	_ =	shalt  }
.Lfunc_end0:
.L_simem_size_0:
called_computation_lowered:
.L_overlay_start_0:
0x88: {  	s2 =	sld [smem:$0x3FD9]  }
0x89: {  	s3 =	sld [smem:$0x3FFE];
	_ =	sdelay $0x1  }
0x8a: {  	s1 =	srdreg.scid  }
0x8b: {  	s0 =	sand.u32 $0x1, s1  }
0x8c: {  	s17 =	sshll.u32 s0, $0xA;
	s2 =	sadd.s32 s3, s2  }
0x8d: {  	s2 =	sadd.s32 s2, s17  }
0x8e: {  	[smem:$0x3FC5] =	sst s2  }
0x8f: {  	_ = 	snop  }
0x90: {  	s2 =	sld [smem:$0x3FC9]  }
0x91: {  	s18 =	sld [smem:$0x3FC8]  }
0x92: {  	s4 =	sld [smem:$0x3FC7];
	(tm) =	ssettm $0x1  }
0x93: {  	s5 =	sld [smem:$0x3FFB];
	_ =	sdelay $0x3  }
0x94: {  	_ =	strace s5  }
0x95: {  	s5 =	sld [smem:$0x3FFC];
	_ =	sdelay $0x3  }
0x96: {  	_ =	strace s5  }
0x97: {  	s5 =	sld [smem:$0x3FFD];
	_ =	sdelay $0x3  }
0x98: {  	_ =	strace s5  }
0x99: {  	_ =	strace $0x8FFFFFFF  }
0x9a: {  	s19 =	sld [smem:$0x3FDB];
	_ =	sdelay $0x1  }
0x9b: {  	s6 =	simm.s32 $_scs_section_size  }
0x9c: {  	s7 =	simm.s32 $_size__tile_overlayer_lowered;
	s8 =	simm.s32 $_tile_overlayer_lowered  }
0x9d: {  	s22 =	simm.s32 $0x1BFF;
	s21 =	sshll.u32 s8, $0x1;
	s5 =	sadd.s32 s6, s19  }
0x9e: {  	s9 =	simm.s32 $0x0;
	s20 =	sshll.u32 s7, $0x1;
	s7 =	sadd.s32 s21, s5  }
0x9f: {  	[timem:s9], [sflag:s22] =	dma.local [hbm:s7], s20  }
0xa0: {  	_ =	swait.ge [sflag:s22], s20  }
0xa1: {  	s6 =	ssub.s32 $0x0, s20;
	[sflag:s22] =	ssyncset.done $0x0  }
0xa2: {  	[sflag:s22] =	ssyncadd.s32 s6;
	_ =	sdelay $0x1  }
0xa3: {  	s23 =	simm.s32 $0x1B8B  }
0xa4: {  	_ =	swait.ge [sflag:s23], $0x1  }
0xa5: {  	[sflag:s23] =	ssyncset.done $0x0  }
0xa6: {  	s25 =	simm.s32 $0x1B8E;
	s24 =	sld [smem:$0x3FFE];
	[sflag:s23] =	ssyncadd.s32 $0xFFFFFFFF  }
0xa7: {  	s26 =	simm.s32 $execute0_lowered;
	[smem:$0x3FD2] =	sst s25  }
0xa8: {  	s7 =	sshll.u32 s26, $0x1;
	_ =	strace $0x80000046;
	[dreg:$0x1] =	wrdreg $0xFFFFFFFF  }
0xa9: {  	s28 =	simm.s32 $_size_execute0_lowered;
	s5 =	sadd.s32 s5, s7;
	[dreg:$0x0] =	wrdreg $0x0  }
0xaa: {  	s7 =	sshll.u32 s28, $0x1;
	[dreg:$0x2] =	wrdreg s5  }
0xab: {  	[dreg:$0x3] =	wrdreg s7  }
0xac: {  	[dreg:$0x4] =	wrdreg $0xC0  }
0xad: {  	_ =	task [dreg:s9], $0x5FFFF  }
0xae: {  	[dreg:$0x1] =	wrdreg $0xFFFFFFFF  }
0xaf: {  	[dreg:$0x0] =	wrdreg $0x60  }
0xb0: {  	[dreg:$0x2] =	wrdreg s18  }
0xb1: {  	[dreg:$0x3] =	wrdreg s2  }
0xb2: {  	[dreg:$0x4] =	wrdreg s4  }
0xb3: {  	[dreg:$0x5] =	wrdreg s24  }
0xb4: {  	[dreg:$0x6] =	wrdreg $0x9  }
0xb5: {  	_ =	task.clear_ibuf [dreg:s9], $0x7FFFF;
	_ =	strace $0x90000046  }
0xb6: {  	s29 =	simm.s32 $0x9;
	_ =	strace $0x80000048  }
0xb7: {  	_ =	swait.ge [sflag:s29], $0x1  }
0xb8: {  	[sflag:s29] =	ssyncadd.s32 $0xFFFFFFFF  }
0xb9: {  	_ =	strace $0x90000048  }
0xba: {  	_ =	sfence  }
0xbb: {  	s30 =	sld [smem:$0x0];
	_ =	sdelay $0x2  }
0xbc: {  	s31 =	sshll.u32 s1, $0xD;
	s1 =	sshrl.u32 s1, $0x2  }
0xbd: {  	s3 =	sand.u32 $0x4000, s31;
	s1 =	sadd.s32 s1, s30  }
0xbe: {  	s0 =	sor.u32 s3, s0;
	s1 =	sshll.u32 s1, $0x11  }
0xbf: {  	s0 =	sor.u32 s1, s0  }
0xc0: {  	s0 =	sadd.s32 $0x8F2B, s0  }
0xc1: {  	[sflag:s0] =	ssyncadd.remote.s32 $0x1  }
0xc2: {  	_ =	sfence.sel $0xFFFF  }
0xc3: {  	[dreg:$0x0] =	wrdreg $0xFFFFFFFF;
	(pc) =	sbr.abs _section_cstart, $3  }
0xc4: {  	[dreg:$0x1] =	wrdreg $0xFFFFFFFF  }
0xc5: {  	_ =	task.clear_ibuf [dreg:s9], $0x2FFFF;
	_ =	strace $0x9FFFFFFF  }
0xc6: {  	(tm) =	ssettm $0x7FFFFFFF  }
0xc7: {  	_ =	shalt  }
tec
execute0_lowered:
.L_overlay_start_1:
0x0: {  	(tag) =	ssettag $0x1  }
0x1: {  	s5 =	rddreg [dreg:$0x0]  }
0x2: {  	s4 =	rddreg [dreg:$0x1]  }
0x3: {  	s2 =	rddreg [dreg:$0x2]  }
0x4: {  	s9 =	rddreg [dreg:$0x3]  }
0x5: {  	s0 =	rddreg [dreg:$0x4]  }
0x6: {  	s6 =	srdreg.scid;
	s1 =	stileid.u32  }
0x7: {  	s3 =	simm.s32 $0x0;
	s12 =	simm.s32 $0x80;
	s13 =	simm.s32 $0x200  }
0x8: {  	s14 =	simm.s32 $0x8200;
	s15 =	simm.s32 $0x4200;
	s16 =	simm.s32 $0xC200  }
0x9: {  	s17 =	simm.s32 $0x1;
	s18 =	simm.s32 $0x3;
	s19 =	simm.s32 $0x100  }
0xa: {  	s20 =	simm.s32 $0x2;
	s21 =	simm.s32 $0x4;
	s22 =	simm.s32 $0x180  }
0xb: {  	s23 =	simm.s32 $0x10200;
	s24 =	simm.s32 $0x0;
	s6 =	sand.u32 $0x1, s6  }
0xc: {  	s7 =	sshll.u32 s1, $0x1;
	[smem:$0x7FF] =	sst s3;
	s8 =	ssub.s32 $0x2, s6  }
0xd: {  	s7 =	sor.u32 s6, s7;
	_ =	strace $0x80000047;
	s29 =	sshrl.u32 s8, $0x1  }
0xe: {  	s10 =	sshll.u32 s7, $0xD;
	s30 =	sshll.u32 s7, $0x6;
	s31 =	sshll.u32 s7, $0x4  }
0xf: {  	s11 =	ssub.s32 s8, s29;
	s4 =	sadd.s32 s4, s10;
	s5 =	sadd.s32 s5, s30  }
0x10: {  	s9 =	sadd.s32 s9, s31;
	s6 =	sadd.s32 $0x800, s4;
	s7 =	sadd.s32 $0x1000, s4  }
0x11: {  	s8 =	sadd.s32 $0x1800, s4;
	s10 =	smax.u32 s11, $0x1;
	s11 =	simm.s32 $0x5  }
.LBB2_1:
0x12: {  	[tilespmem:s3], [sflag:$0x5] =	stream.linear.gather [hbm4b:s5+s3], $0x200, $0x38;
	[tilespmem:$0x10280] =	vst v63  }
0x13: {  	_ =	swait.ge [sflag:s11], $0x200  }
0x14: {  	[sflag:s11] =	ssyncset.done $0x0  }
0x15: {  	[sflag:s11] =	ssyncadd.s32 $0xFFFFFE00  }
0x16: {  	[tilespmem:s13], [sflag:$0x1] =	stream.indirect.gather [hbm4b:s2+s12], $0x80, s3, s12, $0xb8;
	[tilespmem:$0x10280] =	vst v63  }
0x17: {  	_ = 	snop  }
0x18: {  	[tilespmem:s14], [sflag:$0x3] =	stream.linear.gather [hbm4b:s4+s3], $0x4000, $0x38;
	[tilespmem:$0x10280] =	vst v63  }
0x19: {  	_ = 	snop  }
0x1a: {  	[tilespmem:s15], [sflag:$0x2] =	stream.indirect.gather [hbm4b:s2+s12], $0x80, s12, s12, $0xb8;
	[tilespmem:$0x10280] =	vst v63  }
0x1b: {  	_ = 	snop  }
0x1c: {  	[tilespmem:s16], [sflag:$0x4] =	stream.linear.gather [hbm4b:s6+s3], $0x4000, $0x38;
	[tilespmem:$0x10280] =	vst v63  }
0x1d: {  	_ =	swait.ge [sflag:s17], $0x4000  }
0x1e: {  	[sflag:s17] =	ssyncset.done $0x0  }
0x1f: {  	[sflag:s17] =	ssyncadd.s32 $0xFFFFC000  }
0x20: {  	_ =	swait.ge [sflag:s18], $0x4000  }
0x21: {  	[sflag:s18] =	ssyncset.done $0x0  }
0x22: {  	s26 =	simm.s32 $0x8280;
	[sflag:s18] =	ssyncadd.s32 $0xFFFFC000  }
0x23: {  	s25 =	simm.s32 $0x280;
	v0 =	vld [tilespmem:s26+$0x50]  }
0x24: {  	v3 =	vld [tilespmem:s25+$0xFFFFFFB0]  }
0x25: {  	v4 =	vld [tilespmem:s25+$0xFFFFFFA0]  }
0x26: {  	v1 =	vld [tilespmem:s26+$0x10]  }
0x27: {  	v2 =	vld [tilespmem:s26+$0x0]  }
0x28: {  	v5 =	vld [tilespmem:s26+$0xFFFFFF80]  }
0x29: {  	v7 =	vld [tilespmem:s26+$0xFFFFFFA0]  }
0x2a: {  	v8 =	vld [tilespmem:s26+$0xFFFFFFB0]  }
0x2b: {  	v6 =	vld [tilespmem:s25+$0x50];
	(erf) = vlog2.f32 v0  }
0x2c: {  	(erf) = vlog2.f32 v1;
	v1 =	vld [tilespmem:s26+$0x70]  }
0x2d: {  	v0 =	vld [tilespmem:s26+$0x20];
	(erf) = vlog2.f32 v5  }
0x2e: {  	v9 =	vld [tilespmem:s26+$0x40];
	(erf) = vlog2.f32 v7  }
0x2f: {  	v7 =	vld [tilespmem:s26+$0xFFFFFFC0];
	(erf) = vlog2.f32 v8  }
0x30: {  	v10 =	vld [tilespmem:s26+$0xFFFFFFE0]  }
0x31: {  	v11 =	vld [tilespmem:s26+$0xFFFFFFF0];
	(erf) = vlog2.f32 v1  }
0x32: {  	v5 =	vld [tilespmem:s26+$0x60];
	(erf) = vlog2.f32 v0  }
0x33: {  	v13 =	vld [tilespmem:s26+$0x30];
	(erf) = vlog2.f32 v2  }
0x34: {  	v12 =	vld [tilespmem:s25+$0xFFFFFFE0];
	v0 =	vpop (erf);
	(erf) = vlog2.f32 v7  }
0x35: {  	v8 =	vld [tilespmem:s26+$0xFFFFFFD0];
	v0 =	vmul.f32 $6.931471820e-01, v0;
	v7 =	vpop (erf);
	(erf) = vlog2.f32 v9  }
0x36: {  	v15 =	vld [tilespmem:s25+$0x10];
	v14 =	vpop (erf);
	(erf) = vlog2.f32 v10  }
0x37: {  	v0 =	vmul.f32 v0, v6;
	(erf) = vlog2.f32 v5;
	v5 =	vpop (erf);
	v6 =	vld [tilespmem:s25+$0xFFFFFF80]  }
0x38: {  	v10 =	vld [tilespmem:s26+$0xFFFFFF90];
	(erf) = vlog2.f32 v13;
	v5 =	vmul.f32 $6.931471820e-01, v5;
	v9 =	vpop (erf)  }
0x39: {  	v19 =	vld [tilespmem:s25+$0x40];
	(erf) = vlog2.f32 v11;
	v11 =	vmul.f32 $6.931471820e-01, v9  }
0x3a: {  	v21 =	vld [tilespmem:s25+$0xFFFFFFC0];
	v13 =	vmul.f32 $6.931471820e-01, v14;
	(erf) = vlog2.f32 v8  }
0x3b: {  	v8 =	vpop (erf);
	v4 =	vmul.f32 v5, v4;
	v5 =	vld [tilespmem:s25+$0x0];
	v14 =	vmul.f32 v11, v3  }
0x3c: {  	v20 =	vld [tilespmem:s25+$0x20];
	v17 =	vpop (erf);
	v6 =	vmul.f32 v13, v6  }
0x3d: {  	v23 =	vld [tilespmem:s25+$0x60];
	v7 =	vmul.f32 $6.931471820e-01, v7;
	(erf) = vlog2.f32 v10;
	v16 =	vpop (erf)  }
0x3e: {  	v1 =	vld [tilespmem:s25+$0xFFFFFFD0];
	v3 =	vimm.f32 $0.0e+00;
	v11 =	vmul.f32 $6.931471820e-01, v8;
	v22 =	vpop (erf);
	v16 =	vmul.f32 $6.931471820e-01, v16  }
0x3f: {  	v2 =	vld [tilespmem:s25+$0x30];
	v10 =	vmul.f32 v7, v15;
	v7 =	vimm.f32 $0.0e+00;
	v8 =	vadd.f32 v14, v3;
	v14 =	vpop (erf)  }
0x40: {  	v9 =	vld [tilespmem:s25+$0x70];
	v18 =	vadd.f32 v6, v3;
	v25 =	vmul.f32 $6.931471820e-01, v22;
	v22 =	vmul.f32 v16, v5;
	v6 =	vpop (erf)  }
0x41: {  	v15 =	vld [tilespmem:s25+$0xFFFFFFF0];
	v5 =	vimm.f32 $0.0e+00;
	v26 =	vmul.f32 $6.931471820e-01, v14;
	v14 =	vadd.f32 v4, v3;
	v24 =	vpop (erf)  }
0x42: {  	s28 =	simm.s32 $0x8380;
	s26 =	simm.s32 $0x0;
	v13 =	vld [tilespmem:s25+$0xFFFFFF90];
	v4 =	vimm.f32 $0.0e+00;
	v27 =	vmul.f32 $6.931471820e-01, v6;
	v6 =	vimm.f32 $0.0e+00;
	v16 =	vpop (erf)  }
.LBB2_2:
0x43: {  	v28 =	vld [tilespmem:s28+$0x50];
	s26 =	sadd.s32 $0x2, s26;
	v21 =	vmul.f32 v25, v21;
	v19 =	vmul.f32 v26, v19;
	s25 =	sadd.s32 $0x100, s25;
	v25 =	vpop (erf)  }
0x44: {  	v17 =	vmul.f32 $6.931471820e-01, v17;
	v26 =	vld [tilespmem:s25+$0xFFFFFFB0];
	p0 =	slt.u32 s26, $0x7E;
	v12 =	vmul.f32 v27, v12;
	v18 =	vadd.f32 v22, v18;
	v22 =	vpop (erf)  }
0x45: {  	v27 =	vld [tilespmem:s25+$0xFFFFFFA0];
	v3 =	vadd.f32 v21, v3;
	v21 =	vmul.f32 $6.931471820e-01, v22;
	v22 =	vmul.f32 $6.931471820e-01, v24  }
0x46: {  	v25 =	vmul.f32 $6.931471820e-01, v25;
	v17 =	vmul.f32 v17, v20;
	v24 =	vld [tilespmem:s28+$0x10];
	v20 =	vpop (erf)  }
0x47: {  	v6 =	vadd.f32 v12, v6;
	v29 =	vld [tilespmem:s28+$0x0];
	v20 =	vmul.f32 $6.931471820e-01, v20;
	v12 =	vmul.f32 v22, v23  }
0x48: {  	v1 =	vmul.f32 v21, v1;
	v14 =	vadd.f32 v17, v14;
	v22 =	vld [tilespmem:s28+$0xFFFFFF80];
	(erf) = vlog2.f32 v28  }
0x49: {  	v15 =	vmul.f32 v25, v15;
	v17 =	vld [tilespmem:s25+$0x50];
	v13 =	vmul.f32 v20, v13;
	v6 =	vadd.f32 v12, v6  }
0x4a: {  	v9 =	vmul.f32 v11, v9;
	v3 =	vadd.f32 v19, v3;
	v1 =	vadd.f32 v1, v7;
	v12 =	vld [tilespmem:s28+$0x20]  }
0x4b: {  	v4 =	vadd.f32 v15, v4;
	v11 =	vld [tilespmem:s28+$0xFFFFFFA0];
	v5 =	vadd.f32 v13, v5;
	v13 =	vmul.f32 $6.931471820e-01, v16  }
0x4c: {  	v7 =	vadd.f32 v0, v1;
	v15 =	vld [tilespmem:s28+$0xFFFFFFB0];
	(erf) = vlog2.f32 v24  }
0x4d: {  	v0 =	vld [tilespmem:s28+$0x70];
	(erf) = vlog2.f32 v22;
	v5 =	vadd.f32 v10, v5;
	v1 =	vmul.f32 v13, v2  }
0x4e: {  	v4 =	vadd.f32 v9, v4;
	v10 =	vld [tilespmem:s28+$0x60]  }
0x4f: {  	v2 =	vld [tilespmem:s28+$0x40];
	v8 =	vadd.f32 v1, v8  }
0x50: {  	v9 =	vld [tilespmem:s28+$0xFFFFFFC0];
	(erf) = vlog2.f32 v11  }
0x51: {  	v11 =	vld [tilespmem:s28+$0xFFFFFFD0];
	(erf) = vlog2.f32 v15;
	v1 =	vpop (erf)  }
0x52: {  	v13 =	vld [tilespmem:s28+$0xFFFFFFE0];
	v20 =	vmul.f32 $6.931471820e-01, v1;
	(erf) = vlog2.f32 v0  }
0x53: {  	v16 =	vld [tilespmem:s28+$0xFFFFFFF0];
	(erf) = vlog2.f32 v12  }
0x54: {  	v19 =	vld [tilespmem:s28+$0x30];
	(erf) = vlog2.f32 v29  }
0x55: {  	v0 =	vmul.f32 v20, v17;
	v1 =	vld [tilespmem:s25+$0xFFFFFFD0];
	(erf) = vlog2.f32 v9;
	v15 =	vpop (erf)  }
0x56: {  	v12 =	vld [tilespmem:s25+$0xFFFFFFE0];
	v20 =	vpop (erf);
	(erf) = vlog2.f32 v2  }
0x57: {  	v2 =	vld [tilespmem:s25+$0x30];
	(erf) = vlog2.f32 v13  }
0x58: {  	v13 =	vld [tilespmem:s28+$0xFFFFFF90];
	(erf) = vlog2.f32 v10  }
0x59: {  	v10 =	vld [tilespmem:s25+$0x10];
	v9 =	vpop (erf);
	(erf) = vlog2.f32 v19  }
0x5a: {  	v22 =	vld [tilespmem:s25+$0xFFFFFF80];
	v19 =	vmul.f32 $6.931471820e-01, v9;
	v9 =	vpop (erf);
	(erf) = vlog2.f32 v16  }
0x5b: {  	v16 =	vmul.f32 $6.931471820e-01, v9;
	v9 =	vld [tilespmem:s25+$0x70];
	(erf) = vlog2.f32 v11;
	v11 =	vpop (erf)  }
0x5c: {  	v23 =	vmul.f32 v19, v27;
	v28 =	vld [tilespmem:s25+$0x0];
	v11 =	vmul.f32 $6.931471820e-01, v11;
	v17 =	vpop (erf)  }
0x5d: {  	v20 =	vmul.f32 $6.931471820e-01, v20;
	v19 =	vld [tilespmem:s25+$0x40];
	(erf) = vlog2.f32 v13;
	v24 =	vpop (erf)  }
.Ltmp0:
0x5e: {  	v15 =	vmul.f32 $6.931471820e-01, v15;
	v16 =	vmul.f32 v16, v26;
	v21 =	vld [tilespmem:s25+$0xFFFFFFC0];
	v25 =	vpop (erf);
	(pc) =	sbr.rel @p0 .LBB2_2-.Ltmp0, $4  }
0x5f: {  	v22 =	vmul.f32 v20, v22;
	v13 =	vld [tilespmem:s25+$0xFFFFFF90];
	v26 =	vpop (erf)  }
0x60: {  	v29 =	vmul.f32 $6.931471820e-01, v24;
	v10 =	vmul.f32 v15, v10;
	v8 =	vadd.f32 v16, v8;
	v20 =	vld [tilespmem:s25+$0x20];
	v27 =	vpop (erf)  }
0x61: {  	v25 =	vmul.f32 $6.931471820e-01, v25;
	v26 =	vmul.f32 $6.931471820e-01, v26;
	v18 =	vadd.f32 v22, v18;
	v15 =	vld [tilespmem:s25+$0xFFFFFFF0];
	v24 =	vpop (erf)  }
0x62: {  	s28 =	sadd.s32 $0x100, s28;
	v14 =	vadd.f32 v23, v14;
	v27 =	vmul.f32 $6.931471820e-01, v27;
	v22 =	vmul.f32 v29, v28;
	v23 =	vld [tilespmem:s25+$0x60];
	v16 =	vpop (erf)  }
0x63: {  	_ = 	snop  }
0x64: {  	v28 =	vpop (erf);
	[tilespmem:s13], [sflag:$0x1] =	stream.indirect.gather [hbm4b:s2+s12], $0x80, s19, s12, $0xb8;
	[tilespmem:$0x10280] =	vst v63  }
0x65: {  	s25 =	simm.s32 $0x0;
	v29 =	vpop (erf)  }
0x66: {  	[tilespmem:s14], [sflag:$0x3] =	stream.linear.gather [hbm4b:s7+s25], $0x4000, $0x38;
	v30 =	vpop (erf);
	[tilespmem:$0x10280] =	vst v63  }
0x67: {  	_ =	swait.ge [sflag:s20], $0x4000  }
0x68: {  	[sflag:s20] =	ssyncset.done $0x0  }
0x69: {  	[sflag:s20] =	ssyncadd.s32 $0xFFFFC000  }
0x6a: {  	_ =	swait.ge [sflag:s21], $0x4000  }
0x6b: {  	[sflag:s21] =	ssyncset.done $0x0  }
0x6c: {  	s25 =	simm.s32 $0x0;
	[sflag:s21] =	ssyncadd.s32 $0xFFFFC000  }
0x6d: {  	v31 =	vld [tilespmem:s25+$0x4270]  }
0x6e: {  	v32 =	vld [tilespmem:s25+$0xC280]  }
0x6f: {  	v33 =	vld [tilespmem:s25+$0xC2D0]  }
0x70: {  	v34 =	vld [tilespmem:s25+$0xC2C0]  }
0x71: {  	v17 =	vmul.f32 $6.931471820e-01, v17;
	v36 =	vld [tilespmem:s25+$0xC290]  }
0x72: {  	v21 =	vmul.f32 v25, v21;
	v19 =	vmul.f32 v26, v19;
	v37 =	vld [tilespmem:s25+$0xC2E0]  }
0x73: {  	v16 =	vmul.f32 $6.931471820e-01, v16;
	v26 =	vmul.f32 v27, v12;
	v25 =	vld [tilespmem:s25+$0xC270]  }
0x74: {  	v17 =	vmul.f32 v17, v20;
	v20 =	vmul.f32 $6.931471820e-01, v24;
	v12 =	vld [tilespmem:s25+$0xC260]  }
0x75: {  	v27 =	vmul.f32 $6.931471820e-01, v29;
	v24 =	vld [tilespmem:s25+$0xC250];
	(erf) = vlog2.f32 v34  }
0x76: {  	v11 =	vmul.f32 v11, v9;
	v35 =	vld [tilespmem:s25+$0xC2B0];
	(erf) = vlog2.f32 v36  }
0x77: {  	v27 =	vmul.f32 v27, v1;
	v29 =	vld [tilespmem:s25+$0xC240];
	(erf) = vlog2.f32 v37  }
0x78: {  	v1 =	vmul.f32 $6.931471820e-01, v30;
	(erf) = vlog2.f32 v25;
	v25 =	vld [tilespmem:s25+$0xC220]  }
0x79: {  	v20 =	vmul.f32 v20, v23;
	v23 =	vld [tilespmem:s25+$0xC2F0];
	(erf) = vlog2.f32 v12  }
0x7a: {  	v13 =	vmul.f32 v1, v13;
	v62 =	vld [tilespmem:s25+$0xC230];
	(erf) = vlog2.f32 v24  }
0x7b: {  	v1 =	vadd.f32 v22, v18;
	v22 =	vmul.f32 v16, v2;
	v16 =	vld [tilespmem:s25+$0xC2A0];
	(erf) = vlog2.f32 v35  }
0x7c: {  	v9 =	vadd.f32 v26, v6;
	v12 =	vmul.f32 $6.931471820e-01, v28;
	v28 =	vld [tilespmem:s25+$0xC200];
	(erf) = vlog2.f32 v29  }
0x7d: {  	v24 =	vld [tilespmem:s25+$0xC210];
	(erf) = vlog2.f32 v25  }
0x7e: {  	v18 =	vadd.f32 v21, v3;
	v26 =	vadd.f32 v20, v9;
	v20 =	vld [tilespmem:s25+$0x4250];
	(erf) = vlog2.f32 v23;
	v21 =	vpop (erf)  }
0x7f: {  	v9 =	vld [tilespmem:s25+$0x4290];
	(erf) = vlog2.f32 v32;
	v2 =	vpop (erf)  }
0x80: {  	v7 =	vadd.f32 v27, v7;
	v27 =	vld [tilespmem:s25+$0x42C0];
	v6 =	vmul.f32 $6.931471820e-01, v2;
	(erf) = vlog2.f32 v33;
	v2 =	vpop (erf)  }
0x81: {  	v3 =	vadd.f32 v17, v14;
	v29 =	vld [tilespmem:s25+$0x4260];
	v14 =	vmul.f32 $6.931471820e-01, v2;
	(erf) = vlog2.f32 v28;
	v2 =	vpop (erf)  }
0x82: {  	v5 =	vadd.f32 v13, v5;
	v13 =	vld [tilespmem:s25+$0x42A0];
	v15 =	vmul.f32 v12, v15;
	(erf) = vlog2.f32 v24;
	v24 =	vpop (erf)  }
0x83: {  	v12 =	vld [tilespmem:s25+$0x42E0];
	v17 =	vmul.f32 $6.931471820e-01, v2;
	v2 =	vadd.f32 v19, v18;
	v18 =	vmul.f32 $6.931471820e-01, v24;
	v24 =	vpop (erf)  }
0x84: {  	v19 =	vld [tilespmem:s25+$0x42B0];
	(erf) = vlog2.f32 v62;
	v24 =	vmul.f32 $6.931471820e-01, v24  }
0x85: {  	v23 =	vld [tilespmem:s25+$0x4220];
	v21 =	vmul.f32 $6.931471820e-01, v21;
	v28 =	vpop (erf)  }
0x86: {  	v25 =	vld [tilespmem:s25+$0x4240];
	v4 =	vadd.f32 v15, v4;
	(erf) = vlog2.f32 v16;
	v29 =	vmul.f32 v18, v29;
	v15 =	vpop (erf)  }
0x87: {  	v0 =	vadd.f32 v0, v7;
	v18 =	vld [tilespmem:s25+$0x4280];
	v7 =	vmul.f32 $6.931471820e-01, v28;
	v16 =	vmul.f32 v24, v20;
	v20 =	vpop (erf)  }
0x88: {  	v5 =	vadd.f32 v10, v5;
	v28 =	vmul.f32 $6.931471820e-01, v15;
	v15 =	vld [tilespmem:s25+$0x42D0];
	v10 =	vmul.f32 $6.931471820e-01, v20;
	v24 =	vpop (erf)  }
0x89: {  	v4 =	vadd.f32 v11, v4;
	v17 =	vmul.f32 v17, v31;
	v20 =	vld [tilespmem:s25+$0x42F0];
	v11 =	vmul.f32 v7, v19;
	v63 =	vpop (erf)  }
0x8a: {  	v7 =	vadd.f32 v22, v8;
	v19 =	vmul.f32 v21, v27;
	v21 =	vld [tilespmem:s25+$0x4200];
	v8 =	vmul.f32 v10, v23;
	v22 =	vpop (erf)  }
0x8b: {  	s26 =	simm.s32 $0x0;
	s28 =	simm.s32 $0x400;
	v23 =	vld [tilespmem:s25+$0x4210];
	v10 =	vadd.f32 v29, v26;
	v26 =	vmul.f32 v28, v25;
	v25 =	vmul.f32 $6.931471820e-01, v63;
	v27 =	vpop (erf)  }
.LBB2_4:
0x8c: {  	s26 =	sadd.s32 $0x2, s26;
	v27 =	vmul.f32 $6.931471820e-01, v27;
	v28 =	vld [tilespmem:s25+$0x4230];
	s25 =	sshra.s32 s28, $0x2;
	v4 =	vadd.f32 v17, v4;
	v12 =	vmul.f32 v14, v12;
	v14 =	vpop (erf)  }
0x8d: {  	v22 =	vmul.f32 $6.931471820e-01, v22;
	v24 =	vmul.f32 $6.931471820e-01, v24;
	v17 =	vld [tilespmem:s25+$0x4270];
	p0 =	slt.u32 s26, $0x7E;
	v2 =	vadd.f32 v26, v2;
	v26 =	vpop (erf)  }
0x8e: {  	v0 =	vadd.f32 v16, v0;
	v14 =	vmul.f32 $6.931471820e-01, v14;
	v29 =	vld [tilespmem:s25+$0xC280];
	v10 =	vadd.f32 v12, v10  }
0x8f: {  	v12 =	vmul.f32 $6.931471820e-01, v26;
	v16 =	vld [tilespmem:s25+$0xC2D0];
	v2 =	vadd.f32 v19, v2;
	v19 =	vmul.f32 v24, v20;
	v20 =	vpop (erf)  }
0x90: {  	v18 =	vmul.f32 v25, v18;
	v14 =	vmul.f32 v14, v23;
	v24 =	vld [tilespmem:s25+$0xC2C0]  }
0x91: {  	v21 =	vmul.f32 v27, v21;
	v20 =	vmul.f32 $6.931471820e-01, v20;
	v23 =	vld [tilespmem:s25+$0xC2B0]  }
0x92: {  	v3 =	vadd.f32 v8, v3;
	v8 =	vmul.f32 v12, v28;
	v4 =	vadd.f32 v19, v4;
	v25 =	vld [tilespmem:s25+$0xC290]  }
0x93: {  	v5 =	vadd.f32 v14, v5;
	v1 =	vadd.f32 v21, v1;
	v13 =	vmul.f32 v20, v13;
	v12 =	vld [tilespmem:s25+$0xC2E0]  }
0x94: {  	v6 =	vmul.f32 v6, v9;
	v7 =	vadd.f32 v8, v7;
	v8 =	vmul.f32 v22, v15;
	v14 =	vld [tilespmem:s25+$0xC270]  }
0x95: {  	v1 =	vadd.f32 v18, v1;
	v3 =	vadd.f32 v13, v3;
	v9 =	vld [tilespmem:s25+$0xC260]  }
0x96: {  	v5 =	vadd.f32 v6, v5;
	v7 =	vadd.f32 v11, v7;
	v13 =	vld [tilespmem:s25+$0xC250];
	(erf) = vlog2.f32 v24  }
0x97: {  	v0 =	vadd.f32 v8, v0;
	v6 =	vld [tilespmem:s25+$0xC240];
	(erf) = vlog2.f32 v25  }
0x98: {  	v8 =	vld [tilespmem:s25+$0xC2F0];
	(erf) = vlog2.f32 v12  }
0x99: {  	v11 =	vld [tilespmem:s25+$0xC220];
	(erf) = vlog2.f32 v14  }
0x9a: {  	v15 =	vld [tilespmem:s25+$0xC230];
	(erf) = vlog2.f32 v9  }
0x9b: {  	v18 =	vld [tilespmem:s25+$0xC210];
	(erf) = vlog2.f32 v13  }
0x9c: {  	v9 =	vld [tilespmem:s25+$0xC200];
	(erf) = vlog2.f32 v23  }
0x9d: {  	v13 =	vld [tilespmem:s25+$0x4260];
	(erf) = vlog2.f32 v6  }
0x9e: {  	v12 =	vld [tilespmem:s25+$0x42E0];
	(erf) = vlog2.f32 v11  }
0x9f: {  	v25 =	vld [tilespmem:s25+$0x4240];
	v11 =	vpop (erf);
	(erf) = vlog2.f32 v8  }
0xa0: {  	v8 =	vld [tilespmem:s25+$0x4220];
	(erf) = vlog2.f32 v29;
	v6 =	vpop (erf)  }
0xa1: {  	v6 =	vmul.f32 $6.931471820e-01, v6;
	v19 =	vld [tilespmem:s25+$0xC2A0];
	(erf) = vlog2.f32 v16;
	v14 =	vpop (erf)  }
0xa2: {  	v16 =	vld [tilespmem:s25+$0x4250];
	v14 =	vmul.f32 $6.931471820e-01, v14;
	(erf) = vlog2.f32 v9;
	v9 =	vpop (erf)  }
0xa3: {  	v23 =	vmul.f32 $6.931471820e-01, v9;
	v9 =	vld [tilespmem:s25+$0x4290];
	(erf) = vlog2.f32 v18;
	v18 =	vpop (erf)  }
0xa4: {  	v18 =	vmul.f32 $6.931471820e-01, v18;
	v21 =	vld [tilespmem:s25+$0x42B0];
	(erf) = vlog2.f32 v15;
	v15 =	vpop (erf)  }
0xa5: {  	v15 =	vmul.f32 $6.931471820e-01, v15;
	v17 =	vmul.f32 v23, v17;
	v22 =	vld [tilespmem:s25+$0x42C0];
	v20 =	vpop (erf)  }
0xa6: {  	v23 =	vmul.f32 v18, v13;
	v13 =	vld [tilespmem:s25+$0x42A0];
	v26 =	vpop (erf);
	(erf) = vlog2.f32 v19  }
.Ltmp1:
0xa7: {  	v16 =	vmul.f32 v15, v16;
	v18 =	vld [tilespmem:s25+$0x4280];
	v15 =	vmul.f32 $6.931471820e-01, v20;
	v19 =	vpop (erf);
	(pc) =	sbr.rel @p0 .LBB2_4-.Ltmp1, $4  }
0xa8: {  	v29 =	vmul.f32 $6.931471820e-01, v11;
	v19 =	vmul.f32 $6.931471820e-01, v19;
	v10 =	vadd.f32 v23, v10;
	v20 =	vld [tilespmem:s25+$0x42F0];
	v24 =	vpop (erf)  }
0xa9: {  	v26 =	vmul.f32 $6.931471820e-01, v26;
	v11 =	vmul.f32 v15, v21;
	v15 =	vld [tilespmem:s25+$0x42D0];
	v28 =	vpop (erf)  }
0xaa: {  	v23 =	vld [tilespmem:s25+$0x4210];
	v8 =	vmul.f32 v19, v8;
	v19 =	vmul.f32 v29, v22;
	v22 =	vpop (erf)  }
0xab: {  	s28 =	sadd.s32 $0x400, s28;
	v26 =	vmul.f32 v26, v25;
	v25 =	vmul.f32 $6.931471820e-01, v28;
	v21 =	vld [tilespmem:s25+$0x4200];
	v27 =	vpop (erf)  }
0xac: {  	_ = 	snop  }
0xad: {  	v28 =	vld [tilespmem:s25+$0x4230];
	v29 =	vpop (erf);
	[tilespmem:s15], [sflag:$0x2] =	stream.indirect.gather [hbm4b:s2+s12], $0x80, s22, s12, $0xb8  }
0xae: {  	v30 =	vpop (erf)  }
0xaf: {  	[tilespmem:s16], [sflag:$0x4] =	stream.linear.gather [hbm4b:s8+s3], $0x4000, $0x38;
	v31 =	vpop (erf);
	[tilespmem:$0x10280] =	vst v63  }
0xb0: {  	_ =	swait.ge [sflag:s17], $0x4000  }
0xb1: {  	[sflag:s17] =	ssyncset.done $0x0  }
0xb2: {  	[sflag:s17] =	ssyncadd.s32 $0xFFFFC000  }
0xb3: {  	_ =	swait.ge [sflag:s18], $0x4000  }
0xb4: {  	[sflag:s18] =	ssyncset.done $0x0  }
0xb5: {  	s26 =	simm.s32 $0x8280;
	[sflag:s18] =	ssyncadd.s32 $0xFFFFC000  }
0xb6: {  	s25 =	simm.s32 $0x280;
	v32 =	vld [tilespmem:s26+$0x50]  }
0xb7: {  	v33 =	vld [tilespmem:s25+$0xFFFFFFB0]  }
0xb8: {  	v34 =	vld [tilespmem:s25+$0xFFFFFFA0]  }
0xb9: {  	v35 =	vld [tilespmem:s26+$0x10]  }
0xba: {  	v36 =	vld [tilespmem:s26+$0x0]  }
0xbb: {  	v37 =	vld [tilespmem:s26+$0xFFFFFF80]  }
0xbc: {  	v38 =	vld [tilespmem:s25+$0x50]  }
0xbd: {  	v24 =	vmul.f32 $6.931471820e-01, v24;
	v39 =	vld [tilespmem:s26+$0x20]  }
0xbe: {  	v12 =	vmul.f32 v14, v12;
	v14 =	vmul.f32 $6.931471820e-01, v29;
	v40 =	vld [tilespmem:s26+$0xFFFFFFA0]  }
0xbf: {  	v18 =	vmul.f32 v25, v18;
	v25 =	vmul.f32 $6.931471820e-01, v27;
	v29 =	vld [tilespmem:s26+$0xFFFFFFB0]  }
0xc0: {  	v20 =	vmul.f32 v24, v20;
	v24 =	vld [tilespmem:s26+$0x70];
	(erf) = vlog2.f32 v32  }
0xc1: {  	v17 =	vadd.f32 v17, v4;
	v4 =	vmul.f32 $6.931471820e-01, v30;
	v63 =	vld [tilespmem:s26+$0x60];
	(erf) = vlog2.f32 v35  }
0xc2: {  	v23 =	vmul.f32 v14, v23;
	v14 =	vld [tilespmem:s26+$0x40];
	(erf) = vlog2.f32 v37  }
0xc3: {  	v21 =	vmul.f32 v25, v21;
	v27 =	vld [tilespmem:s26+$0xFFFFFFC0];
	(erf) = vlog2.f32 v40  }
0xc4: {  	v25 =	vmul.f32 v4, v28;
	v28 =	vld [tilespmem:s26+$0xFFFFFFF0];
	(erf) = vlog2.f32 v29  }
0xc5: {  	v16 =	vadd.f32 v16, v0;
	v9 =	vmul.f32 v6, v9;
	(erf) = vlog2.f32 v24;
	v24 =	vld [tilespmem:s26+$0xFFFFFFE0]  }
0xc6: {  	v26 =	vadd.f32 v26, v2;
	v2 =	vadd.f32 v12, v10;
	v12 =	vld [tilespmem:s26+$0x30];
	(erf) = vlog2.f32 v39  }
0xc7: {  	v3 =	vadd.f32 v8, v3;
	v0 =	vmul.f32 $6.931471820e-01, v31;
	v10 =	vld [tilespmem:s25+$0xFFFFFFD0];
	(erf) = vlog2.f32 v36  }
0xc8: {  	v4 =	vadd.f32 v19, v26;
	v19 =	vmul.f32 $6.931471820e-01, v22;
	v6 =	vld [tilespmem:s25+$0x30];
	(erf) = vlog2.f32 v27  }
0xc9: {  	v5 =	vadd.f32 v23, v5;
	v8 =	vmul.f32 v0, v13;
	v29 =	vld [tilespmem:s26+$0xFFFFFFD0];
	v13 =	vpop (erf);
	(erf) = vlog2.f32 v14  }
0xca: {  	v0 =	vadd.f32 v20, v17;
	v7 =	vadd.f32 v25, v7;
	v22 =	vld [tilespmem:s26+$0xFFFFFF90];
	v20 =	vpop (erf);
	(erf) = vlog2.f32 v24  }
0xcb: {  	v17 =	vadd.f32 v21, v1;
	v15 =	vmul.f32 v19, v15;
	v23 =	vld [tilespmem:s25+$0xFFFFFF80];
	v21 =	vpop (erf);
	(erf) = vlog2.f32 v63  }
0xcc: {  	v11 =	vadd.f32 v11, v7;
	v19 =	vld [tilespmem:s25+$0x10];
	v1 =	vmul.f32 $6.931471820e-01, v13;
	v13 =	vpop (erf);
	(erf) = vlog2.f32 v12  }
0xcd: {  	v7 =	vld [tilespmem:s25+$0xFFFFFF90];
	v27 =	vadd.f32 v8, v3;
	v20 =	vmul.f32 $6.931471820e-01, v20;
	v12 =	vpop (erf);
	(erf) = vlog2.f32 v28  }
0xce: {  	v14 =	vld [tilespmem:s25+$0xFFFFFFE0];
	v24 =	vadd.f32 v18, v17;
	v8 =	vmul.f32 $6.931471820e-01, v21;
	v18 =	vpop (erf);
	(erf) = vlog2.f32 v29  }
0xcf: {  	v3 =	vadd.f32 v9, v5;
	v21 =	vld [tilespmem:s25+$0xFFFFFFC0];
	v13 =	vmul.f32 $6.931471820e-01, v13;
	v25 =	vmul.f32 $6.931471820e-01, v12;
	v17 =	vpop (erf)  }
0xd0: {  	v5 =	vadd.f32 v15, v16;
	v29 =	vld [tilespmem:s25+$0x0];
	v15 =	vmul.f32 v8, v23;
	(erf) = vlog2.f32 v22;
	v9 =	vpop (erf)  }
0xd1: {  	v28 =	vmul.f32 v13, v34;
	v13 =	vmul.f32 $6.931471820e-01, v18;
	v18 =	vld [tilespmem:s25+$0x40];
	v26 =	vpop (erf)  }
0xd2: {  	v1 =	vmul.f32 v1, v38;
	v12 =	vld [tilespmem:s25+$0x70];
	v25 =	vmul.f32 v25, v33;
	v16 =	vpop (erf)  }
0xd3: {  	v22 =	vmul.f32 $6.931471820e-01, v9;
	v9 =	vmul.f32 v20, v19;
	v20 =	vld [tilespmem:s25+$0x20];
	v19 =	vadd.f32 v15, v24;
	v23 =	vpop (erf)  }
0xd4: {  	v15 =	vld [tilespmem:s25+$0xFFFFFFF0];
	v8 =	vadd.f32 v25, v11;
	v25 =	vmul.f32 $6.931471820e-01, v26;
	v26 =	vmul.f32 $6.931471820e-01, v16;
	v24 =	vpop (erf)  }
0xd5: {  	s28 =	simm.s32 $0x8380;
	s26 =	simm.s32 $0x0;
	v11 =	vadd.f32 v28, v27;
	v22 =	vmul.f32 v22, v29;
	v27 =	vmul.f32 $6.931471820e-01, v23;
	v23 =	vld [tilespmem:s25+$0x60];
	v16 =	vpop (erf)  }
.LBB2_6:
0xd6: {  	v28 =	vld [tilespmem:s28+$0x50];
	s26 =	sadd.s32 $0x2, s26;
	v21 =	vmul.f32 v25, v21;
	v18 =	vmul.f32 v26, v18;
	s25 =	sadd.s32 $0x100, s25;
	v25 =	vpop (erf)  }
0xd7: {  	v17 =	vmul.f32 $6.931471820e-01, v17;
	v26 =	vld [tilespmem:s25+$0xFFFFFFB0];
	p0 =	slt.u32 s26, $0x7E;
	v14 =	vmul.f32 v27, v14;
	v19 =	vadd.f32 v22, v19;
	v22 =	vpop (erf)  }
0xd8: {  	v27 =	vld [tilespmem:s25+$0xFFFFFFA0];
	v4 =	vadd.f32 v21, v4;
	v21 =	vmul.f32 $6.931471820e-01, v22;
	v22 =	vmul.f32 $6.931471820e-01, v24  }
0xd9: {  	v25 =	vmul.f32 $6.931471820e-01, v25;
	v17 =	vmul.f32 v17, v20;
	v24 =	vld [tilespmem:s28+$0x10];
	v20 =	vpop (erf)  }
0xda: {  	v2 =	vadd.f32 v14, v2;
	v29 =	vld [tilespmem:s28+$0x0];
	v20 =	vmul.f32 $6.931471820e-01, v20;
	v14 =	vmul.f32 v22, v23  }
0xdb: {  	v10 =	vmul.f32 v21, v10;
	v11 =	vadd.f32 v17, v11;
	v22 =	vld [tilespmem:s28+$0xFFFFFF80];
	(erf) = vlog2.f32 v28  }
0xdc: {  	v15 =	vmul.f32 v25, v15;
	v17 =	vld [tilespmem:s25+$0x50];
	v7 =	vmul.f32 v20, v7;
	v2 =	vadd.f32 v14, v2  }
0xdd: {  	v4 =	vadd.f32 v18, v4;
	v5 =	vadd.f32 v10, v5;
	v10 =	vmul.f32 v13, v12;
	v14 =	vld [tilespmem:s28+$0x20]  }
0xde: {  	v0 =	vadd.f32 v15, v0;
	v12 =	vld [tilespmem:s28+$0xFFFFFFA0];
	v3 =	vadd.f32 v7, v3;
	v7 =	vmul.f32 $6.931471820e-01, v16  }
0xdf: {  	v5 =	vadd.f32 v1, v5;
	v13 =	vld [tilespmem:s28+$0xFFFFFFB0];
	(erf) = vlog2.f32 v24  }
0xe0: {  	v1 =	vld [tilespmem:s28+$0x70];
	(erf) = vlog2.f32 v22;
	v3 =	vadd.f32 v9, v3;
	v6 =	vmul.f32 v7, v6  }
0xe1: {  	v0 =	vadd.f32 v10, v0;
	v7 =	vld [tilespmem:s28+$0x60]  }
0xe2: {  	v9 =	vld [tilespmem:s28+$0x40];
	v8 =	vadd.f32 v6, v8  }
0xe3: {  	v6 =	vld [tilespmem:s28+$0xFFFFFFC0];
	(erf) = vlog2.f32 v12  }
0xe4: {  	v15 =	vld [tilespmem:s28+$0xFFFFFFD0];
	(erf) = vlog2.f32 v13;
	v10 =	vpop (erf)  }
0xe5: {  	v12 =	vld [tilespmem:s28+$0xFFFFFFE0];
	v13 =	vmul.f32 $6.931471820e-01, v10;
	(erf) = vlog2.f32 v1  }
0xe6: {  	v16 =	vld [tilespmem:s28+$0xFFFFFFF0];
	(erf) = vlog2.f32 v14  }
0xe7: {  	v18 =	vld [tilespmem:s28+$0x30];
	(erf) = vlog2.f32 v29  }
0xe8: {  	v1 =	vmul.f32 v13, v17;
	v10 =	vld [tilespmem:s25+$0xFFFFFFD0];
	(erf) = vlog2.f32 v6;
	v20 =	vpop (erf)  }
0xe9: {  	v14 =	vld [tilespmem:s25+$0xFFFFFFE0];
	v21 =	vpop (erf);
	(erf) = vlog2.f32 v9  }
0xea: {  	v6 =	vld [tilespmem:s25+$0x30];
	(erf) = vlog2.f32 v12  }
0xeb: {  	v9 =	vld [tilespmem:s28+$0xFFFFFF90];
	(erf) = vlog2.f32 v7  }
0xec: {  	v22 =	vld [tilespmem:s25+$0x10];
	v7 =	vpop (erf);
	(erf) = vlog2.f32 v18  }
0xed: {  	v23 =	vld [tilespmem:s25+$0xFFFFFF80];
	v7 =	vmul.f32 $6.931471820e-01, v7;
	v12 =	vpop (erf);
	(erf) = vlog2.f32 v16  }
0xee: {  	v16 =	vmul.f32 $6.931471820e-01, v12;
	v12 =	vld [tilespmem:s25+$0x70];
	(erf) = vlog2.f32 v15;
	v13 =	vpop (erf)  }
0xef: {  	v27 =	vmul.f32 v7, v27;
	v28 =	vld [tilespmem:s25+$0x0];
	v13 =	vmul.f32 $6.931471820e-01, v13;
	v17 =	vpop (erf)  }
0xf0: {  	v7 =	vmul.f32 $6.931471820e-01, v21;
	v18 =	vld [tilespmem:s25+$0x40];
	(erf) = vlog2.f32 v9;
	v9 =	vpop (erf)  }
.Ltmp2:
0xf1: {  	v25 =	vmul.f32 $6.931471820e-01, v20;
	v15 =	vmul.f32 v16, v26;
	v21 =	vld [tilespmem:s25+$0xFFFFFFC0];
	v24 =	vpop (erf);
	(pc) =	sbr.rel @p0 .LBB2_6-.Ltmp2, $4  }
0xf2: {  	v23 =	vmul.f32 v7, v23;
	v7 =	vld [tilespmem:s25+$0xFFFFFF90];
	v26 =	vpop (erf)  }
0xf3: {  	v29 =	vmul.f32 $6.931471820e-01, v9;
	v9 =	vmul.f32 v25, v22;
	v8 =	vadd.f32 v15, v8;
	v20 =	vld [tilespmem:s25+$0x20];
	v16 =	vpop (erf)  }
0xf4: {  	v25 =	vmul.f32 $6.931471820e-01, v24;
	v26 =	vmul.f32 $6.931471820e-01, v26;
	v19 =	vadd.f32 v23, v19;
	v15 =	vld [tilespmem:s25+$0xFFFFFFF0];
	v24 =	vpop (erf)  }
0xf5: {  	s28 =	sadd.s32 $0x100, s28;
	v11 =	vadd.f32 v27, v11;
	v27 =	vmul.f32 $6.931471820e-01, v16;
	v22 =	vmul.f32 v29, v28;
	v23 =	vld [tilespmem:s25+$0x60];
	v16 =	vpop (erf)  }
0xf6: {  	_ = 	snop  }
0xf7: {  	v28 =	vpop (erf)  }
0xf8: {  	v29 =	vpop (erf)  }
0xf9: {  	v30 =	vpop (erf)  }
0xfa: {  	_ =	swait.ge [sflag:s20], $0x4000  }
0xfb: {  	[sflag:s20] =	ssyncset.done $0x0  }
0xfc: {  	[sflag:s20] =	ssyncadd.s32 $0xFFFFC000  }
0xfd: {  	_ =	swait.ge [sflag:s21], $0x4000  }
0xfe: {  	[sflag:s21] =	ssyncset.done $0x0  }
0xff: {  	s25 =	simm.s32 $0x0;
	[sflag:s21] =	ssyncadd.s32 $0xFFFFC000  }
0x100: {  	v31 =	vld [tilespmem:s25+$0x4270]  }
0x101: {  	v32 =	vld [tilespmem:s25+$0xC280]  }
0x102: {  	v33 =	vld [tilespmem:s25+$0xC2D0]  }
0x103: {  	v34 =	vld [tilespmem:s25+$0xC2C0]  }
0x104: {  	v35 =	vld [tilespmem:s25+$0xC2B0]  }
0x105: {  	v36 =	vld [tilespmem:s25+$0xC290]  }
0x106: {  	v17 =	vmul.f32 $6.931471820e-01, v17;
	v21 =	vmul.f32 v25, v21;
	v37 =	vld [tilespmem:s25+$0xC2E0]  }
0x107: {  	v18 =	vmul.f32 v26, v18;
	v24 =	vmul.f32 $6.931471820e-01, v24;
	v25 =	vld [tilespmem:s25+$0xC270]  }
0x108: {  	v14 =	vmul.f32 v27, v14;
	v17 =	vmul.f32 v17, v20;
	v20 =	vld [tilespmem:s25+$0xC260]  }
0x109: {  	v28 =	vmul.f32 $6.931471820e-01, v28;
	v26 =	vld [tilespmem:s25+$0xC250];
	(erf) = vlog2.f32 v34  }
0x10a: {  	v27 =	vmul.f32 $6.931471820e-01, v29;
	v29 =	vld [tilespmem:s25+$0xC240];
	(erf) = vlog2.f32 v36  }
0x10b: {  	v23 =	vmul.f32 v24, v23;
	v24 =	vld [tilespmem:s25+$0xC2F0];
	(erf) = vlog2.f32 v37  }
0x10c: {  	v27 =	vmul.f32 v27, v10;
	v10 =	vld [tilespmem:s25+$0xC220];
	(erf) = vlog2.f32 v25  }
0x10d: {  	v4 =	vadd.f32 v21, v4;
	v21 =	vmul.f32 v13, v12;
	v61 =	vld [tilespmem:s25+$0xC200];
	(erf) = vlog2.f32 v20  }
0x10e: {  	v15 =	vmul.f32 v28, v15;
	v12 =	vadd.f32 v14, v2;
	v28 =	vld [tilespmem:s25+$0x4260];
	(erf) = vlog2.f32 v26  }
0x10f: {  	v2 =	vadd.f32 v17, v11;
	v17 =	vld [tilespmem:s25+$0x4250];
	(erf) = vlog2.f32 v35  }
0x110: {  	v62 =	vadd.f32 v23, v12;
	v23 =	vld [tilespmem:s25+$0x42B0];
	v25 =	vmul.f32 $6.931471820e-01, v30;
	(erf) = vlog2.f32 v29  }
0x111: {  	v16 =	vmul.f32 $6.931471820e-01, v16;
	v26 =	vld [tilespmem:s25+$0xC210];
	(erf) = vlog2.f32 v10  }
0x112: {  	v20 =	vld [tilespmem:s25+$0xC230];
	v25 =	vmul.f32 v25, v7;
	v7 =	vadd.f32 v22, v19;
	(erf) = vlog2.f32 v24;
	v19 =	vpop (erf)  }
0x113: {  	v4 =	vadd.f32 v18, v4;
	v22 =	vmul.f32 v16, v6;
	v16 =	vld [tilespmem:s25+$0xC2A0];
	(erf) = vlog2.f32 v32;
	v6 =	vpop (erf)  }
0x114: {  	v15 =	vadd.f32 v15, v0;
	v29 =	vld [tilespmem:s25+$0x4240];
	v6 =	vmul.f32 $6.931471820e-01, v6;
	(erf) = vlog2.f32 v33;
	v11 =	vpop (erf)  }
0x115: {  	v3 =	vadd.f32 v25, v3;
	v25 =	vld [tilespmem:s25+$0x42C0];
	v12 =	vmul.f32 $6.931471820e-01, v11;
	(erf) = vlog2.f32 v61;
	v11 =	vpop (erf)  }
0x116: {  	v5 =	vadd.f32 v27, v5;
	v10 =	vld [tilespmem:s25+$0x42E0];
	v13 =	vmul.f32 $6.931471820e-01, v11;
	(erf) = vlog2.f32 v26;
	v14 =	vpop (erf)  }
0x117: {  	v24 =	vld [tilespmem:s25+$0x4220];
	v0 =	vadd.f32 v9, v3;
	v18 =	vmul.f32 $6.931471820e-01, v14;
	(erf) = vlog2.f32 v20;
	v14 =	vpop (erf)  }
0x118: {  	v3 =	vadd.f32 v21, v15;
	v15 =	vld [tilespmem:s25+$0x42D0];
	v20 =	vmul.f32 $6.931471820e-01, v14;
	v14 =	vmul.f32 v13, v31;
	v26 =	vpop (erf)  }
0x119: {  	v11 =	vld [tilespmem:s25+$0x4290];
	(erf) = vlog2.f32 v16;
	v27 =	vmul.f32 v18, v28;
	v28 =	vpop (erf)  }
0x11a: {  	v5 =	vadd.f32 v1, v5;
	v13 =	vld [tilespmem:s25+$0x42A0];
	v1 =	vmul.f32 $6.931471820e-01, v26;
	v26 =	vmul.f32 $6.931471820e-01, v19;
	v16 =	vpop (erf)  }
0x11b: {  	v18 =	vld [tilespmem:s25+$0x4280];
	v17 =	vmul.f32 v20, v17;
	v28 =	vmul.f32 $6.931471820e-01, v28;
	v19 =	vpop (erf)  }
0x11c: {  	v20 =	vmul.f32 $6.931471820e-01, v16;
	v16 =	vld [tilespmem:s25+$0x42F0];
	v9 =	vmul.f32 v1, v23;
	v63 =	vpop (erf)  }
0x11d: {  	v1 =	vadd.f32 v22, v8;
	v22 =	vld [tilespmem:s25+$0x4210];
	v21 =	vmul.f32 v26, v25;
	v25 =	vmul.f32 v28, v29;
	v23 =	vpop (erf)  }
0x11e: {  	s26 =	simm.s32 $0x0;
	s28 =	simm.s32 $0x400;
	v8 =	vadd.f32 v27, v62;
	v20 =	vmul.f32 v20, v24;
	v24 =	vld [tilespmem:s25+$0x4200];
	v26 =	vmul.f32 $6.931471820e-01, v63;
	v27 =	vpop (erf)  }
.LBB2_8:
0x11f: {  	s26 =	sadd.s32 $0x2, s26;
	v27 =	vmul.f32 $6.931471820e-01, v27;
	v28 =	vld [tilespmem:s25+$0x4230];
	s25 =	sshra.s32 s28, $0x2;
	v3 =	vadd.f32 v14, v3;
	v10 =	vmul.f32 v12, v10;
	v12 =	vpop (erf)  }
0x120: {  	v23 =	vmul.f32 $6.931471820e-01, v23;
	v30 =	vmul.f32 $6.931471820e-01, v19;
	v14 =	vld [tilespmem:s25+$0x4270];
	p0 =	slt.u32 s26, $0x7E;
	v4 =	vadd.f32 v25, v4;
	v25 =	vpop (erf)  }
0x121: {  	v5 =	vadd.f32 v17, v5;
	v12 =	vmul.f32 $6.931471820e-01, v12;
	v29 =	vld [tilespmem:s25+$0xC280];
	v8 =	vadd.f32 v10, v8  }
0x122: {  	v10 =	vmul.f32 $6.931471820e-01, v25;
	v16 =	vmul.f32 v30, v16;
	v17 =	vld [tilespmem:s25+$0xC2D0];
	v4 =	vadd.f32 v21, v4;
	v19 =	vpop (erf)  }
0x123: {  	v18 =	vmul.f32 v26, v18;
	v12 =	vmul.f32 v12, v22;
	v21 =	vld [tilespmem:s25+$0xC2C0]  }
0x124: {  	v24 =	vmul.f32 v27, v24;
	v19 =	vmul.f32 $6.931471820e-01, v19;
	v22 =	vld [tilespmem:s25+$0xC2B0]  }
0x125: {  	v2 =	vadd.f32 v20, v2;
	v3 =	vadd.f32 v16, v3;
	v10 =	vmul.f32 v10, v28;
	v25 =	vld [tilespmem:s25+$0xC290]  }
0x126: {  	v0 =	vadd.f32 v12, v0;
	v7 =	vadd.f32 v24, v7;
	v12 =	vmul.f32 v19, v13;
	v16 =	vld [tilespmem:s25+$0xC2E0]  }
0x127: {  	v6 =	vmul.f32 v6, v11;
	v1 =	vadd.f32 v10, v1;
	v10 =	vmul.f32 v23, v15;
	v13 =	vld [tilespmem:s25+$0xC270]  }
0x128: {  	v7 =	vadd.f32 v18, v7;
	v2 =	vadd.f32 v12, v2;
	v11 =	vld [tilespmem:s25+$0xC260]  }
0x129: {  	v0 =	vadd.f32 v6, v0;
	v1 =	vadd.f32 v9, v1;
	v12 =	vld [tilespmem:s25+$0xC250];
	(erf) = vlog2.f32 v21  }
0x12a: {  	v5 =	vadd.f32 v10, v5;
	v6 =	vld [tilespmem:s25+$0xC240];
	(erf) = vlog2.f32 v25  }
0x12b: {  	v9 =	vld [tilespmem:s25+$0xC2F0];
	(erf) = vlog2.f32 v16  }
0x12c: {  	v15 =	vld [tilespmem:s25+$0xC220];
	(erf) = vlog2.f32 v13  }
0x12d: {  	v13 =	vld [tilespmem:s25+$0xC230];
	(erf) = vlog2.f32 v11  }
0x12e: {  	v16 =	vld [tilespmem:s25+$0xC210];
	(erf) = vlog2.f32 v12  }
0x12f: {  	v11 =	vld [tilespmem:s25+$0xC200];
	(erf) = vlog2.f32 v22  }
0x130: {  	v18 =	vld [tilespmem:s25+$0x4260];
	(erf) = vlog2.f32 v6  }
0x131: {  	v10 =	vld [tilespmem:s25+$0x42E0];
	(erf) = vlog2.f32 v15  }
0x132: {  	v25 =	vld [tilespmem:s25+$0x4240];
	v15 =	vpop (erf);
	(erf) = vlog2.f32 v9  }
0x133: {  	v20 =	vld [tilespmem:s25+$0x4220];
	(erf) = vlog2.f32 v29;
	v6 =	vpop (erf)  }
0x134: {  	v6 =	vmul.f32 $6.931471820e-01, v6;
	v9 =	vld [tilespmem:s25+$0xC2A0];
	(erf) = vlog2.f32 v17;
	v12 =	vpop (erf)  }
0x135: {  	v17 =	vld [tilespmem:s25+$0x4250];
	v12 =	vmul.f32 $6.931471820e-01, v12;
	(erf) = vlog2.f32 v11;
	v11 =	vpop (erf)  }
0x136: {  	v26 =	vmul.f32 $6.931471820e-01, v11;
	v11 =	vld [tilespmem:s25+$0x4290];
	(erf) = vlog2.f32 v16;
	v16 =	vpop (erf)  }
0x137: {  	v16 =	vmul.f32 $6.931471820e-01, v16;
	v21 =	vld [tilespmem:s25+$0x42B0];
	(erf) = vlog2.f32 v13;
	v13 =	vpop (erf)  }
0x138: {  	v22 =	vmul.f32 $6.931471820e-01, v13;
	v14 =	vmul.f32 v26, v14;
	v23 =	vld [tilespmem:s25+$0x42C0];
	v19 =	vpop (erf)  }
0x139: {  	v16 =	vmul.f32 v16, v18;
	v13 =	vld [tilespmem:s25+$0x42A0];
	v24 =	vpop (erf);
	(erf) = vlog2.f32 v9  }
.Ltmp3:
0x13a: {  	v9 =	vmul.f32 $6.931471820e-01, v19;
	v17 =	vmul.f32 v22, v17;
	v18 =	vld [tilespmem:s25+$0x4280];
	v19 =	vpop (erf);
	(pc) =	sbr.rel @p0 .LBB2_8-.Ltmp3, $4  }
0x13b: {  	v30 =	vmul.f32 $6.931471820e-01, v15;
	v26 =	vmul.f32 $6.931471820e-01, v19;
	v8 =	vadd.f32 v16, v8;
	v16 =	vld [tilespmem:s25+$0x42F0];
	v19 =	vpop (erf)  }
0x13c: {  	v28 =	vmul.f32 $6.931471820e-01, v24;
	v9 =	vmul.f32 v9, v21;
	v15 =	vld [tilespmem:s25+$0x42D0];
	v29 =	vpop (erf)  }
0x13d: {  	v22 =	vld [tilespmem:s25+$0x4210];
	v20 =	vmul.f32 v26, v20;
	v21 =	vmul.f32 v30, v23;
	v23 =	vpop (erf)  }
0x13e: {  	s28 =	sadd.s32 $0x400, s28;
	v25 =	vmul.f32 v28, v25;
	v26 =	vmul.f32 $6.931471820e-01, v29;
	v24 =	vld [tilespmem:s25+$0x4200];
	v27 =	vpop (erf)  }
0x13f: {  	_ = 	snop  }
0x140: {  	v28 =	vpop (erf)  }
0x141: {  	v27 =	vmul.f32 $6.931471820e-01, v27;
	v29 =	vld [tilespmem:s25+$0x4230];
	v28 =	vmul.f32 $6.931471820e-01, v28  }
0x142: {  	v6 =	vmul.f32 v6, v11  }
0x143: {  	v53 =	vpop (erf);
	v22 =	vmul.f32 v28, v22;
	v24 =	vmul.f32 v27, v24  }
0x144: {  	v18 =	vmul.f32 v26, v18;
	v55 =	vmul.f32 $6.931471820e-01, v53;
	v54 =	vpop (erf)  }
0x145: {  	v26 =	vmul.f32 $6.931471820e-01, v54;
	v0 =	vadd.f32 v22, v0;
	v7 =	vadd.f32 v24, v7  }
0x146: {  	v2 =	vadd.f32 v20, v2;
	v56 =	vmul.f32 v55, v29  }
0x147: {  	v13 =	vmul.f32 v26, v13;
	v0 =	vadd.f32 v6, v0;
	v7 =	vadd.f32 v18, v7  }
0x148: {  	v1 =	vadd.f32 v56, v1  }
0x149: {  	v2 =	vadd.f32 v13, v2;
	v0 =	vadd.f32 v0, v7  }
0x14a: {  	v4 =	vadd.f32 v25, v4  }
0x14b: {  	v57 =	vmul.f32 $6.931471820e-01, v23;
	v1 =	vadd.f32 v9, v1;
	v0 =	vadd.f32 v2, v0  }
0x14c: {  	v58 =	vadd.f32 v17, v5  }
0x14d: {  	v59 =	vmul.f32 v57, v15;
	v4 =	vadd.f32 v21, v4;
	v0 =	vadd.f32 v1, v0  }
0x14e: {  	v60 =	vmul.f32 v12, v10  }
0x14f: {  	v61 =	vmul.f32 $6.931471820e-01, v19;
	v2 =	vadd.f32 v59, v58;
	v0 =	vadd.f32 v4, v0  }
0x150: {  	v3 =	vadd.f32 v14, v3  }
0x151: {  	v62 =	vmul.f32 v61, v16;
	v1 =	vadd.f32 v60, v8;
	v0 =	vadd.f32 v2, v0;
	_ =	sdelay $0x1  }
0x152: {  	v63 =	vadd.f32 v62, v3;
	v0 =	vadd.f32 v1, v0;
	_ =	sdelay $0x1  }
0x153: {  	v0 =	vadd.f32 v63, v0;
	_ =	sdelay $0x1  }
0x154: {  	s24 =	sadd.s32 $0x1, s24;
	v0 =	vmul.f32 $-6.103515630e-05, v0  }
0x155: {  	p0 =	sne.s32 s24, s10  }
.Ltmp4:
0x156: {  	[tilespmem:$0x10200] =	vst v0;
	(pc) =	sbr.rel @p0 .LBB2_1-.Ltmp4, $4  }
0x157: {  	[hbm4b:s9+s3] =	stream.linear.scatter [tilespmem:s23], [sflag:$0x5], $0x80, $0x38;
	[tilespmem:$0x10280] =	vst v63  }
0x158: {  	_ =	swait.ge [sflag:s11], $0x80  }
0x159: {  	[sflag:s11] =	ssyncset.done $0x0  }
0x15a: {  	[sflag:s11] =	ssyncadd.s32 $0xFFFFFF80  }
0x15b: {  	_ =	sfence.sel $0x180000  }
0x15c: {  	[bflag:$0x0] =	sbarrier.arrive $0xFFFF  }
0x15d: {  	p0 =	sne.s32 s1, $0x0;
	_ =	strace $0x90000047  }
0x15e: {  	s0 =	sadd.s32 @!p0 $0x100000, s0;
	[bflag:$0x2] =	sbarrier.arrive $0xFFFF  }
0x15f: {  	[sflag:s0] =	ssyncadd.tile.s32 @!p0 $0x1;
	_ =	shalt  }
.Lfunc_end2:
_tile_overlayer_lowered:
.L_overlay_start_2:
0x160: {  	(tag) =	ssettag $0x2  }
0x161: {  	s0 =	rddreg [dreg:$0x0];
	s2 =	stileid.u32  }
0x162: {  	s1 =	rddreg [dreg:$0x1];
	p0 =	sne.s32 s2, $0x0  }
0x163: {  	s3 =	rddreg [dreg:$0x2];
	[bflag:$0x3] =	sbarrier.arrive $0xFFFF;
	s2 =	simm.s32 @!p0 $0x1C05  }
0x164: {  	[timem:s3], [sflag:s2] =	dma.local @!p0 [hbm:s0], s1  }
0x165: {  	s0 =	simm.s32 @!p0 $0x5  }
0x166: {  	_ =	swait.ge @!p0 [sflag:s0], s1  }
0x167: {  	s1 =	ssub.s32 @!p0 $0x0, s1;
	[sflag:s0] =	ssyncset.done @!p0 $0x0  }
0x168: {  	[sflag:s0] =	ssyncadd.s32 @!p0 s1  }
0x169: {  	[bflag:$0x3] =	sbarrier.arrive $0xFFFF  }
0x16a: {  	_ =	shalt  }

</sc_bundles>
